<compile_context>
chip_gen: v7x
topology: tpu7x:2x2x1
jax: 0.10.2.dev20260603
libtpu: 0.0.44.dev20260713+nightly
codegen_flags: <defaults>
</compile_context>

<pallas_src>
import functools

import jax
import jax.numpy as jnp
from jax import lax
from jax.experimental import pallas as pl
from jax.experimental.pallas import tpu as pltpu
from jax.experimental.pallas import tpu_sc as plsc

_NC = 1
_NS = 16
_NW = _NC * _NS
_L = 16


@functools.lru_cache(maxsize=None)
def _build(B, W0, W1, R0, R1):
    cols = B // _NW
    n_vec = cols // _L

    mesh = plsc.VectorSubcoreMesh(
        core_axis_name="c", subcore_axis_name="s",
        num_cores=_NC, num_subcores=_NS,
    )

    @functools.partial(
        pl.kernel,
        mesh=mesh,
        out_type=jax.ShapeDtypeStruct((19, B), jnp.float32),
        compiler_params=pltpu.CompilerParams(needs_layout_passes=False),
        scratch_types=[
            pltpu.VMEM((2, cols), jnp.float32),
            pltpu.VMEM((W0, W1), jnp.float32),
            pltpu.VMEM((W0, W1), jnp.float32),
            pltpu.VMEM((R0, R1), jnp.float32),
            pltpu.VMEM((19, cols), jnp.float32),
            pltpu.VMEM((W0 * W1 + _L,), jnp.float32),
            pltpu.VMEM((W0 * W1 + _L,), jnp.float32),
            pltpu.VMEM((R0 * R1 + _L,), jnp.float32),
            pltpu.SemaphoreType.DMA,
        ],
    )
    def sc_kernel(x_hbm, wh_hbm, wv_hbm, rp_hbm, out_hbm,
                  x_v, wh_v, wv_v, rp_v, out_v,
                  whf, wvf, rpf, sem):
        wid = lax.axis_index("s") * _NC + lax.axis_index("c")
        base = wid * cols

        c_x = pltpu.async_copy(x_hbm.at[:, pl.ds(base, cols)], x_v, sem)
        c_wh = pltpu.async_copy(wh_hbm, wh_v, sem)
        c_wv = pltpu.async_copy(wv_hbm, wv_v, sem)
        c_rp = pltpu.async_copy(rp_hbm, rp_v, sem)
        c_x.wait()
        c_wh.wait()
        c_wv.wait()
        c_rp.wait()

        lane = lax.iota(jnp.int32, _L)
        for src, dst in ((wh_v, whf), (wv_v, wvf)):
            for r in range(W0):
                dst[pl.ds(r * W1, _L)] = src[r, pl.ds(0, _L)]
                dst[pl.ds(r * W1 + (W1 - _L), _L)] = \
                    src[r, pl.ds(W1 - _L, _L)]
        for r in range(R0):
            vals = plsc.load_gather(
                rp_v, [jnp.full((_L,), r, jnp.int32),
                       jnp.minimum(lane, R1 - 1)])
            plsc.store_scatter(rpf, [r * R1 + lane], vals,
                               mask=lane < R1)

        def group(i):
            sl = pl.ds(i * _L, _L)
            xx = x_v[0, sl]
            yy = x_v[1, sl]
            x_idx = (xx * 20.0).astype(jnp.int32)
            y_idx = (yy * 20.0).astype(jnp.int32)

            wflat = x_idx * W1 + y_idx
            wh = plsc.load_gather(whf, [wflat])
            wv = plsc.load_gather(wvf, [wflat])

            rx = x_idx >> 2
            ry = y_idx >> 2
            rflat = rx * R1 + ry
            rp_c = plsc.load_gather(rpf, [rflat])
            p_l = plsc.load_gather(
                rpf, [jnp.maximum(rflat - R1, ry)])
            p_r = plsc.load_gather(
                rpf, [jnp.minimum(rflat + R1, ry + (R0 - 1) * R1)])
            p_t = plsc.load_gather(rpf, [jnp.maximum(rflat - 1, rx * R1)])
            p_b = plsc.load_gather(
                rpf, [jnp.minimum(rflat + 1, rx * R1 + (R1 - 1))])

            xm = (x_idx & 3).astype(jnp.float32)
            ym = (y_idx & 3).astype(jnp.float32)
            x_in = x_idx != (W0 - 1)
            y_in = y_idx != (W1 - 1)
            d_l = jnp.where(x_in, xm / 20.0, 0.2)
            d_r = jnp.where(x_in, (4.0 - xm) / 20.0, 0.0)
            d_t = jnp.where(y_in, (4.0 - ym) / 20.0, 0.0)
            d_b = jnp.where(y_in, ym / 20.0, 0.2)

            cols_vals = (
                xx, yy, 0.95 - xx, 0.95 - yy, wh, wv, rp_c,
                xx, 1.0 - xx, yy, 1.0 - yy,
                p_l, p_r, p_t, p_b,
                d_l, d_r, d_t, d_b,
            )
            for c, val in enumerate(cols_vals):
                out_v[c, sl] = val

        unroll = 2

        def body(it, carry):
            for u in range(unroll):
                group(it * unroll + u)
            return carry

        half = cols // 2
        lax.fori_loop(0, n_vec // unroll // 2, body, 0)
        c_o1 = pltpu.async_copy(
            out_v.at[:, pl.ds(0, half)],
            out_hbm.at[:, pl.ds(base, half)], sem)
        lax.fori_loop(n_vec // unroll // 2, n_vec // unroll, body, 0)
        c_o2 = pltpu.async_copy(
            out_v.at[:, pl.ds(half, half)],
            out_hbm.at[:, pl.ds(base + half, half)], sem)
        c_o1.wait()
        c_o2.wait()

    return sc_kernel


def kernel(x, wind_map_horizontal, wind_map_vertical, region_penalty_map):
    B = x.shape[0]
    W0, W1 = wind_map_horizontal.shape
    R0, R1 = region_penalty_map.shape
    fn = _build(B, W0, W1, R0, R1)
    out = fn(x.T, wind_map_horizontal, wind_map_vertical,
             region_penalty_map)
    return out.T

# --- scband reference (transcript-rebuilt; emitter-appended) ---
"""Pipeline reference for scband-human-concepts-46239617909173 (READ-ONLY COPY).

The authoritative reference and input builder live on the scoring server;
editing this copy changes nothing except your own understanding.
"""

import jax, jax.numpy as jnp
import numpy as np

B = 16384

def setup_inputs(seed: int = 0) -> dict:
    key = jax.random.key(seed)
    k1, k2, k3, k4 = jax.random.split(key, 4)
    x = jax.random.uniform(k1, (B, 2), dtype=jnp.float32)
    wind_map_horizontal = jax.random.normal(k2, (21, 21), dtype=jnp.float32)
    wind_map_vertical = jax.random.normal(k3, (21, 21), dtype=jnp.float32)
    region_penalty_map = jax.random.normal(k4, (6, 6), dtype=jnp.float32)
    return {
        'x': x,
        'wind_map_horizontal': wind_map_horizontal,
        'wind_map_vertical': wind_map_vertical,
        'region_penalty_map': region_penalty_map,
    }


def reference(x, wind_map_horizontal, wind_map_vertical, region_penalty_map):
    region_size = 4
    xx = x[:, 0]
    yy = x[:, 1]
    x_idx = jax.lax.stop_gradient(xx * 20.0).astype(jnp.int32)
    y_idx = jax.lax.stop_gradient(yy * 20.0).astype(jnp.int32)
    wh = wind_map_horizontal[x_idx, y_idx]
    wv = wind_map_vertical[x_idx, y_idx]
    dx = 0.95 - xx
    dy = 0.95 - yy
    region_x = x_idx // region_size
    region_y = y_idx // region_size
    region_penalty = region_penalty_map[region_x, region_y]
    dist_left_wall = xx
    dist_right_wall = 1.0 - xx
    dist_top_wall = yy
    dist_bottom_wall = 1.0 - yy
    R0, R1 = region_penalty_map.shape
    mask_left = region_x > 0
    mask_right = region_x < R0 - 1
    mask_top = region_y > 0
    mask_bottom = region_y < R1 - 1
    penalty_left = jnp.where(mask_left, region_penalty_map[jnp.clip(region_x - 1, 0, R0 - 1), region_y], region_penalty)
    penalty_right = jnp.where(mask_right, region_penalty_map[jnp.clip(region_x + 1, 0, R0 - 1), region_y], region_penalty)
    penalty_top = jnp.where(mask_top, region_penalty_map[region_x, jnp.clip(region_y - 1, 0, R1 - 1)], region_penalty)
    penalty_bottom = jnp.where(mask_bottom, region_penalty_map[region_x, jnp.clip(region_y + 1, 0, R1 - 1)], region_penalty)
    dist_left = jnp.where(x_idx != 20, (x_idx % 4) / 20.0, 0.2)
    dist_right = jnp.where(x_idx != 20, (4 - x_idx % 4) / 20.0, 0.0)
    dist_top = jnp.where(y_idx != 20, (4 - y_idx % 4) / 20.0, 0.0)
    dist_bottom = jnp.where(y_idx != 20, (y_idx % 4) / 20.0, 0.2)
    concept_vector = jnp.stack([
        xx, yy, dx, dy, wh, wv, region_penalty,
        dist_left_wall, dist_right_wall, dist_top_wall, dist_bottom_wall,
        penalty_left, penalty_right, penalty_top, penalty_bottom,
        dist_left, dist_right, dist_top, dist_bottom
    ], axis=1).astype(jnp.float32)
    return concept_vector

if __name__ == "__main__":
    import jax
    _d = setup_inputs()
    print(jax.jit(kernel)(*tuple(_d.values())))

</pallas_src>

<mosaic_0001>
#map = affine_map<(d0, d1) -> (0, 0)>
module attributes {stable_mosaic.version = 14 : i64} {
  func.func @sc_kernel(%arg0: i32, %arg1: i32, %arg2: memref<2x16384xf32, #tpu.memory_space<hbm>>, %arg3: memref<21x21xf32, #tpu.memory_space<hbm>>, %arg4: memref<21x21xf32, #tpu.memory_space<hbm>>, %arg5: memref<6x6xf32, #tpu.memory_space<hbm>>, %arg6: memref<19x16384xf32, #tpu.memory_space<hbm>>, %arg7: memref<2x1024xf32, #tpu.memory_space<vmem>>, %arg8: memref<21x21xf32, #tpu.memory_space<vmem>>, %arg9: memref<21x21xf32, #tpu.memory_space<vmem>>, %arg10: memref<6x6xf32, #tpu.memory_space<vmem>>, %arg11: memref<19x1024xf32, #tpu.memory_space<vmem>>, %arg12: memref<457xf32, #tpu.memory_space<vmem>>, %arg13: memref<457xf32, #tpu.memory_space<vmem>>, %arg14: memref<52xf32, #tpu.memory_space<vmem>>, %arg15: memref<!tpu.dma_semaphore, #tpu.memory_space<semaphore_mem>>) attributes {dimension_semantics = [#tpu.dimension_semantics<core_parallel>, #tpu.dimension_semantics<subcore_parallel>], iteration_bounds = array<i64: 1, 16>, scalar_prefetch = 0 : i64, scratch_operands = 9 : i64, tpu.core_type = #tpu.core_type<sc_vector_subcore>, window_params = [{transform_indices = #map}, {transform_indices = #map}, {transform_indices = #map}, {transform_indices = #map}, {transform_indices = #map}]} {
    %mul3A = arith.constant 1 : i32
    %mul3A_0 = arith.muli %arg1, %mul3A : i32
    %add3A = arith.addi %mul3A_0, %arg0 : i32
    %mul3A_1 = arith.constant 1024 : i32
    %mul3A_2 = arith.muli %add3A, %mul3A_1 : i32
    %dma_start3A = arith.constant 0 : i32
    %dma_start3A_3 = tpu.memref_slice %arg2[%dma_start3A, %mul3A_2] : memref<2x16384xf32, #tpu.memory_space<hbm>> -> memref<2x1024xf32, #tpu.memory_space<hbm>>
    %dma_start3A_4 = arith.constant 0 : i32
    %dma_start3A_5 = tpu.memref_slice %arg2[%dma_start3A_4, %mul3A_2] : memref<2x16384xf32, #tpu.memory_space<hbm>> -> memref<2x1024xf32, #tpu.memory_space<hbm>>
    tpu.enqueue_dma source(%dma_start3A_5 : memref<2x1024xf32, #tpu.memory_space<hbm>>) target(%arg7 : memref<2x1024xf32, #tpu.memory_space<vmem>>) target_semaphore(%arg15 : memref<!tpu.dma_semaphore, #tpu.memory_space<semaphore_mem>>)
    tpu.enqueue_dma source(%arg3 : memref<21x21xf32, #tpu.memory_space<hbm>>) target(%arg8 : memref<21x21xf32, #tpu.memory_space<vmem>>) target_semaphore(%arg15 : memref<!tpu.dma_semaphore, #tpu.memory_space<semaphore_mem>>)
    tpu.enqueue_dma source(%arg4 : memref<21x21xf32, #tpu.memory_space<hbm>>) target(%arg9 : memref<21x21xf32, #tpu.memory_space<vmem>>) target_semaphore(%arg15 : memref<!tpu.dma_semaphore, #tpu.memory_space<semaphore_mem>>)
    tpu.enqueue_dma source(%arg5 : memref<6x6xf32, #tpu.memory_space<hbm>>) target(%arg10 : memref<6x6xf32, #tpu.memory_space<vmem>>) target_semaphore(%arg15 : memref<!tpu.dma_semaphore, #tpu.memory_space<semaphore_mem>>)
    %dma_wait3A = arith.constant 0 : i32
    %dma_wait3A_6 = tpu.memref_slice %arg2[%dma_wait3A, %mul3A_2] : memref<2x16384xf32, #tpu.memory_space<hbm>> -> memref<2x1024xf32, #tpu.memory_space<hbm>>
    %dma_wait3A_7 = arith.constant 0 : i32
    %dma_wait3A_8 = tpu.memref_slice %arg2[%dma_wait3A_7, %mul3A_2] : memref<2x16384xf32, #tpu.memory_space<hbm>> -> memref<2x1024xf32, #tpu.memory_space<hbm>>
    tpu.wait_dma2 semaphore(%arg15 : memref<!tpu.dma_semaphore, #tpu.memory_space<semaphore_mem>>) src(%dma_wait3A_8 : memref<2x1024xf32, #tpu.memory_space<hbm>>) dst(%arg7 : memref<2x1024xf32, #tpu.memory_space<vmem>>)
    tpu.wait_dma2 semaphore(%arg15 : memref<!tpu.dma_semaphore, #tpu.memory_space<semaphore_mem>>) src(%arg3 : memref<21x21xf32, #tpu.memory_space<hbm>>) dst(%arg8 : memref<21x21xf32, #tpu.memory_space<vmem>>)
    tpu.wait_dma2 semaphore(%arg15 : memref<!tpu.dma_semaphore, #tpu.memory_space<semaphore_mem>>) src(%arg4 : memref<21x21xf32, #tpu.memory_space<hbm>>) dst(%arg9 : memref<21x21xf32, #tpu.memory_space<vmem>>)
    tpu.wait_dma2 semaphore(%arg15 : memref<!tpu.dma_semaphore, #tpu.memory_space<semaphore_mem>>) src(%arg5 : memref<6x6xf32, #tpu.memory_space<hbm>>) dst(%arg10 : memref<6x6xf32, #tpu.memory_space<vmem>>)
    %iota3A = tpu.iota {dimensions = array<i32: 0>} : vector<16xi32>
    %get3A = arith.constant 0 : i32
    %get3A_9 = arith.index_cast %get3A : i32 to index
    %get3A_10 = arith.constant 0 : index
    %get3A_11 = tpu.vector_load %arg8[%get3A_9, %get3A_10] {strides = array<i32>} : memref<21x21xf32, #tpu.memory_space<vmem>>, vector<16xf32>,
    %swap3A = arith.constant 0 : index
    %swap3A_12 = tpu.vector_load %arg12[%swap3A] {strides = array<i32>} : memref<457xf32, #tpu.memory_space<vmem>>, vector<16xf32>,
    tpu.vector_store %arg12[%swap3A], %get3A_11 {strides = array<i32>} : memref<457xf32, #tpu.memory_space<vmem>>, vector<16xf32>,
    %get3A_13 = arith.constant 0 : i32
    %get3A_14 = arith.index_cast %get3A_13 : i32 to index
    %get3A_15 = arith.constant 5 : index
    %get3A_16 = tpu.vector_load %arg8[%get3A_14, %get3A_15] {strides = array<i32>} : memref<21x21xf32, #tpu.memory_space<vmem>>, vector<16xf32>,
    %swap3A_17 = arith.constant 5 : index
    %swap3A_18 = tpu.vector_load %arg12[%swap3A_17] {strides = array<i32>} : memref<457xf32, #tpu.memory_space<vmem>>, vector<16xf32>,
    tpu.vector_store %arg12[%swap3A_17], %get3A_16 {strides = array<i32>} : memref<457xf32, #tpu.memory_space<vmem>>, vector<16xf32>,
    %get3A_19 = arith.constant 1 : i32
    %get3A_20 = arith.index_cast %get3A_19 : i32 to index
    %get3A_21 = arith.constant 0 : index
    %get3A_22 = tpu.vector_load %arg8[%get3A_20, %get3A_21] {strides = array<i32>} : memref<21x21xf32, #tpu.memory_space<vmem>>, vector<16xf32>,
    %swap3A_23 = arith.constant 21 : index
    %swap3A_24 = tpu.vector_load %arg12[%swap3A_23] {strides = array<i32>} : memref<457xf32, #tpu.memory_space<vmem>>, vector<16xf32>,
    tpu.vector_store %arg12[%swap3A_23], %get3A_22 {strides = array<i32>} : memref<457xf32, #tpu.memory_space<vmem>>, vector<16xf32>,
    %get3A_25 = arith.constant 1 : i32
    %get3A_26 = arith.index_cast %get3A_25 : i32 to index
    %get3A_27 = arith.constant 5 : index
    %get3A_28 = tpu.vector_load %arg8[%get3A_26, %get3A_27] {strides = array<i32>} : memref<21x21xf32, #tpu.memory_space<vmem>>, vector<16xf32>,
    %swap3A_29 = arith.constant 26 : index
    %swap3A_30 = tpu.vector_load %arg12[%swap3A_29] {strides = array<i32>} : memref<457xf32, #tpu.memory_space<vmem>>, vector<16xf32>,
    tpu.vector_store %arg12[%swap3A_29], %get3A_28 {strides = array<i32>} : memref<457xf32, #tpu.memory_space<vmem>>, vector<16xf32>,
    %get3A_31 = arith.constant 2 : i32
    %get3A_32 = arith.index_cast %get3A_31 : i32 to index
    %get3A_33 = arith.constant 0 : index
    %get3A_34 = tpu.vector_load %arg8[%get3A_32, %get3A_33] {strides = array<i32>} : memref<21x21xf32, #tpu.memory_space<vmem>>, vector<16xf32>,
    %swap3A_35 = arith.constant 42 : index
    %swap3A_36 = tpu.vector_load %arg12[%swap3A_35] {strides = array<i32>} : memref<457xf32, #tpu.memory_space<vmem>>, vector<16xf32>,
    tpu.vector_store %arg12[%swap3A_35], %get3A_34 {strides = array<i32>} : memref<457xf32, #tpu.memory_space<vmem>>, vector<16xf32>,
    %get3A_37 = arith.constant 2 : i32
    %get3A_38 = arith.index_cast %get3A_37 : i32 to index
    %get3A_39 = arith.constant 5 : index
    %get3A_40 = tpu.vector_load %arg8[%get3A_38, %get3A_39] {strides = array<i32>} : memref<21x21xf32, #tpu.memory_space<vmem>>, vector<16xf32>,
    %swap3A_41 = arith.constant 47 : index
    %swap3A_42 = tpu.vector_load %arg12[%swap3A_41] {strides = array<i32>} : memref<457xf32, #tpu.memory_space<vmem>>, vector<16xf32>,
    tpu.vector_store %arg12[%swap3A_41], %get3A_40 {strides = array<i32>} : memref<457xf32, #tpu.memory_space<vmem>>, vector<16xf32>,
    %get3A_43 = arith.constant 3 : i32
    %get3A_44 = arith.index_cast %get3A_43 : i32 to index
    %get3A_45 = arith.constant 0 : index
    %get3A_46 = tpu.vector_load %arg8[%get3A_44, %get3A_45] {strides = array<i32>} : memref<21x21xf32, #tpu.memory_space<vmem>>, vector<16xf32>,
    %swap3A_47 = arith.constant 63 : index
    %swap3A_48 = tpu.vector_load %arg12[%swap3A_47] {strides = array<i32>} : memref<457xf32, #tpu.memory_space<vmem>>, vector<16xf32>,
    tpu.vector_store %arg12[%swap3A_47], %get3A_46 {strides = array<i32>} : memref<457xf32, #tpu.memory_space<vmem>>, vector<16xf32>,
    %get3A_49 = arith.constant 3 : i32
    %get3A_50 = arith.index_cast %get3A_49 : i32 to index
    %get3A_51 = arith.constant 5 : index
    %get3A_52 = tpu.vector_load %arg8[%get3A_50, %get3A_51] {strides = array<i32>} : memref<21x21xf32, #tpu.memory_space<vmem>>, vector<16xf32>,
    %swap3A_53 = arith.constant 68 : index
    %swap3A_54 = tpu.vector_load %arg12[%swap3A_53] {strides = array<i32>} : memref<457xf32, #tpu.memory_space<vmem>>, vector<16xf32>,
    tpu.vector_store %arg12[%swap3A_53], %get3A_52 {strides = array<i32>} : memref<457xf32, #tpu.memory_space<vmem>>, vector<16xf32>,
    %get3A_55 = arith.constant 4 : i32
    %get3A_56 = arith.index_cast %get3A_55 : i32 to index
    %get3A_57 = arith.constant 0 : index
    %get3A_58 = tpu.vector_load %arg8[%get3A_56, %get3A_57] {strides = array<i32>} : memref<21x21xf32, #tpu.memory_space<vmem>>, vector<16xf32>,
    %swap3A_59 = arith.constant 84 : index
    %swap3A_60 = tpu.vector_load %arg12[%swap3A_59] {strides = array<i32>} : memref<457xf32, #tpu.memory_space<vmem>>, vector<16xf32>,
    tpu.vector_store %arg12[%swap3A_59], %get3A_58 {strides = array<i32>} : memref<457xf32, #tpu.memory_space<vmem>>, vector<16xf32>,
    %get3A_61 = arith.constant 4 : i32
    %get3A_62 = arith.index_cast %get3A_61 : i32 to index
    %get3A_63 = arith.constant 5 : index
    %get3A_64 = tpu.vector_load %arg8[%get3A_62, %get3A_63] {strides = array<i32>} : memref<21x21xf32, #tpu.memory_space<vmem>>, vector<16xf32>,
    %swap3A_65 = arith.constant 89 : index
    %swap3A_66 = tpu.vector_load %arg12[%swap3A_65] {strides = array<i32>} : memref<457xf32, #tpu.memory_space<vmem>>, vector<16xf32>,
    tpu.vector_store %arg12[%swap3A_65], %get3A_64 {strides = array<i32>} : memref<457xf32, #tpu.memory_space<vmem>>, vector<16xf32>,
    %get3A_67 = arith.constant 5 : i32
    %get3A_68 = arith.index_cast %get3A_67 : i32 to index
    %get3A_69 = arith.constant 0 : index
    %get3A_70 = tpu.vector_load %arg8[%get3A_68, %get3A_69] {strides = array<i32>} : memref<21x21xf32, #tpu.memory_space<vmem>>, vector<16xf32>,
    %swap3A_71 = arith.constant 105 : index
    %swap3A_72 = tpu.vector_load %arg12[%swap3A_71] {strides = array<i32>} : memref<457xf32, #tpu.memory_space<vmem>>, vector<16xf32>,
    tpu.vector_store %arg12[%swap3A_71], %get3A_70 {strides = array<i32>} : memref<457xf32, #tpu.memory_space<vmem>>, vector<16xf32>,
    %get3A_73 = arith.constant 5 : i32
    %get3A_74 = arith.index_cast %get3A_73 : i32 to index
    %get3A_75 = arith.constant 5 : index
    %get3A_76 = tpu.vector_load %arg8[%get3A_74, %get3A_75] {strides = array<i32>} : memref<21x21xf32, #tpu.memory_space<vmem>>, vector<16xf32>,
    %swap3A_77 = arith.constant 110 : index
    %swap3A_78 = tpu.vector_load %arg12[%swap3A_77] {strides = array<i32>} : memref<457xf32, #tpu.memory_space<vmem>>, vector<16xf32>,
    tpu.vector_store %arg12[%swap3A_77], %get3A_76 {strides = array<i32>} : memref<457xf32, #tpu.memory_space<vmem>>, vector<16xf32>,
    %get3A_79 = arith.constant 6 : i32
    %get3A_80 = arith.index_cast %get3A_79 : i32 to index
    %get3A_81 = arith.constant 0 : index
    %get3A_82 = tpu.vector_load %arg8[%get3A_80, %get3A_81] {strides = array<i32>} : memref<21x21xf32, #tpu.memory_space<vmem>>, vector<16xf32>,
    %swap3A_83 = arith.constant 126 : index
    %swap3A_84 = tpu.vector_load %arg12[%swap3A_83] {strides = array<i32>} : memref<457xf32, #tpu.memory_space<vmem>>, vector<16xf32>,
    tpu.vector_store %arg12[%swap3A_83], %get3A_82 {strides = array<i32>} : memref<457xf32, #tpu.memory_space<vmem>>, vector<16xf32>,
    %get3A_85 = arith.constant 6 : i32
    %get3A_86 = arith.index_cast %get3A_85 : i32 to index
    %get3A_87 = arith.constant 5 : index
    %get3A_88 = tpu.vector_load %arg8[%get3A_86, %get3A_87] {strides = array<i32>} : memref<21x21xf32, #tpu.memory_space<vmem>>, vector<16xf32>,
    %swap3A_89 = arith.constant 131 : index
    %swap3A_90 = tpu.vector_load %arg12[%swap3A_89] {strides = array<i32>} : memref<457xf32, #tpu.memory_space<vmem>>, vector<16xf32>,
    tpu.vector_store %arg12[%swap3A_89], %get3A_88 {strides = array<i32>} : memref<457xf32, #tpu.memory_space<vmem>>, vector<16xf32>,
    %get3A_91 = arith.constant 7 : i32
    %get3A_92 = arith.index_cast %get3A_91 : i32 to index
    %get3A_93 = arith.constant 0 : index
    %get3A_94 = tpu.vector_load %arg8[%get3A_92, %get3A_93] {strides = array<i32>} : memref<21x21xf32, #tpu.memory_space<vmem>>, vector<16xf32>,
    %swap3A_95 = arith.constant 147 : index
    %swap3A_96 = tpu.vector_load %arg12[%swap3A_95] {strides = array<i32>} : memref<457xf32, #tpu.memory_space<vmem>>, vector<16xf32>,
    tpu.vector_store %arg12[%swap3A_95], %get3A_94 {strides = array<i32>} : memref<457xf32, #tpu.memory_space<vmem>>, vector<16xf32>,
    %get3A_97 = arith.constant 7 : i32
    %get3A_98 = arith.index_cast %get3A_97 : i32 to index
    %get3A_99 = arith.constant 5 : index
    %get3A_100 = tpu.vector_load %arg8[%get3A_98, %get3A_99] {strides = array<i32>} : memref<21x21xf32, #tpu.memory_space<vmem>>, vector<16xf32>,
    %swap3A_101 = arith.constant 152 : index
    %swap3A_102 = tpu.vector_load %arg12[%swap3A_101] {strides = array<i32>} : memref<457xf32, #tpu.memory_space<vmem>>, vector<16xf32>,
    tpu.vector_store %arg12[%swap3A_101], %get3A_100 {strides = array<i32>} : memref<457xf32, #tpu.memory_space<vmem>>, vector<16xf32>,
    %get3A_103 = arith.constant 8 : i32
    %get3A_104 = arith.index_cast %get3A_103 : i32 to index
    %get3A_105 = arith.constant 0 : index
    %get3A_106 = tpu.vector_load %arg8[%get3A_104, %get3A_105] {strides = array<i32>} : memref<21x21xf32, #tpu.memory_space<vmem>>, vector<16xf32>,
    %swap3A_107 = arith.constant 168 : index
    %swap3A_108 = tpu.vector_load %arg12[%swap3A_107] {strides = array<i32>} : memref<457xf32, #tpu.memory_space<vmem>>, vector<16xf32>,
    tpu.vector_store %arg12[%swap3A_107], %get3A_106 {strides = array<i32>} : memref<457xf32, #tpu.memory_space<vmem>>, vector<16xf32>,
    %get3A_109 = arith.constant 8 : i32
    %get3A_110 = arith.index_cast %get3A_109 : i32 to index
    %get3A_111 = arith.constant 5 : index
    %get3A_112 = tpu.vector_load %arg8[%get3A_110, %get3A_111] {strides = array<i32>} : memref<21x21xf32, #tpu.memory_space<vmem>>, vector<16xf32>,
    %swap3A_113 = arith.constant 173 : index
    %swap3A_114 = tpu.vector_load %arg12[%swap3A_113] {strides = array<i32>} : memref<457xf32, #tpu.memory_space<vmem>>, vector<16xf32>,
    tpu.vector_store %arg12[%swap3A_113], %get3A_112 {strides = array<i32>} : memref<457xf32, #tpu.memory_space<vmem>>, vector<16xf32>,
    %get3A_115 = arith.constant 9 : i32
    %get3A_116 = arith.index_cast %get3A_115 : i32 to index
    %get3A_117 = arith.constant 0 : index
    %get3A_118 = tpu.vector_load %arg8[%get3A_116, %get3A_117] {strides = array<i32>} : memref<21x21xf32, #tpu.memory_space<vmem>>, vector<16xf32>,
    %swap3A_119 = arith.constant 189 : index
    %swap3A_120 = tpu.vector_load %arg12[%swap3A_119] {strides = array<i32>} : memref<457xf32, #tpu.memory_space<vmem>>, vector<16xf32>,
    tpu.vector_store %arg12[%swap3A_119], %get3A_118 {strides = array<i32>} : memref<457xf32, #tpu.memory_space<vmem>>, vector<16xf32>,
    %get3A_121 = arith.constant 9 : i32
    %get3A_122 = arith.index_cast %get3A_121 : i32 to index
    %get3A_123 = arith.constant 5 : index
    %get3A_124 = tpu.vector_load %arg8[%get3A_122, %get3A_123] {strides = array<i32>} : memref<21x21xf32, #tpu.memory_space<vmem>>, vector<16xf32>,
    %swap3A_125 = arith.constant 194 : index
    %swap3A_126 = tpu.vector_load %arg12[%swap3A_125] {strides = array<i32>} : memref<457xf32, #tpu.memory_space<vmem>>, vector<16xf32>,
    tpu.vector_store %arg12[%swap3A_125], %get3A_124 {strides = array<i32>} : memref<457xf32, #tpu.memory_space<vmem>>, vector<16xf32>,
    %get3A_127 = arith.constant 10 : i32
    %get3A_128 = arith.index_cast %get3A_127 : i32 to index
    %get3A_129 = arith.constant 0 : index
    %get3A_130 = tpu.vector_load %arg8[%get3A_128, %get3A_129] {strides = array<i32>} : memref<21x21xf32, #tpu.memory_space<vmem>>, vector<16xf32>,
    %swap3A_131 = arith.constant 210 : index
    %swap3A_132 = tpu.vector_load %arg12[%swap3A_131] {strides = array<i32>} : memref<457xf32, #tpu.memory_space<vmem>>, vector<16xf32>,
    tpu.vector_store %arg12[%swap3A_131], %get3A_130 {strides = array<i32>} : memref<457xf32, #tpu.memory_space<vmem>>, vector<16xf32>,
    %get3A_133 = arith.constant 10 : i32
    %get3A_134 = arith.index_cast %get3A_133 : i32 to index
    %get3A_135 = arith.constant 5 : index
    %get3A_136 = tpu.vector_load %arg8[%get3A_134, %get3A_135] {strides = array<i32>} : memref<21x21xf32, #tpu.memory_space<vmem>>, vector<16xf32>,
    %swap3A_137 = arith.constant 215 : index
    %swap3A_138 = tpu.vector_load %arg12[%swap3A_137] {strides = array<i32>} : memref<457xf32, #tpu.memory_space<vmem>>, vector<16xf32>,
    tpu.vector_store %arg12[%swap3A_137], %get3A_136 {strides = array<i32>} : memref<457xf32, #tpu.memory_space<vmem>>, vector<16xf32>,
    %get3A_139 = arith.constant 11 : i32
    %get3A_140 = arith.index_cast %get3A_139 : i32 to index
    %get3A_141 = arith.constant 0 : index
    %get3A_142 = tpu.vector_load %arg8[%get3A_140, %get3A_141] {strides = array<i32>} : memref<21x21xf32, #tpu.memory_space<vmem>>, vector<16xf32>,
    %swap3A_143 = arith.constant 231 : index
    %swap3A_144 = tpu.vector_load %arg12[%swap3A_143] {strides = array<i32>} : memref<457xf32, #tpu.memory_space<vmem>>, vector<16xf32>,
    tpu.vector_store %arg12[%swap3A_143], %get3A_142 {strides = array<i32>} : memref<457xf32, #tpu.memory_space<vmem>>, vector<16xf32>,
    %get3A_145 = arith.constant 11 : i32
    %get3A_146 = arith.index_cast %get3A_145 : i32 to index
    %get3A_147 = arith.constant 5 : index
    %get3A_148 = tpu.vector_load %arg8[%get3A_146, %get3A_147] {strides = array<i32>} : memref<21x21xf32, #tpu.memory_space<vmem>>, vector<16xf32>,
    %swap3A_149 = arith.constant 236 : index
    %swap3A_150 = tpu.vector_load %arg12[%swap3A_149] {strides = array<i32>} : memref<457xf32, #tpu.memory_space<vmem>>, vector<16xf32>,
    tpu.vector_store %arg12[%swap3A_149], %get3A_148 {strides = array<i32>} : memref<457xf32, #tpu.memory_space<vmem>>, vector<16xf32>,
    %get3A_151 = arith.constant 12 : i32
    %get3A_152 = arith.index_cast %get3A_151 : i32 to index
    %get3A_153 = arith.constant 0 : index
    %get3A_154 = tpu.vector_load %arg8[%get3A_152, %get3A_153] {strides = array<i32>} : memref<21x21xf32, #tpu.memory_space<vmem>>, vector<16xf32>,
    %swap3A_155 = arith.constant 252 : index
    %swap3A_156 = tpu.vector_load %arg12[%swap3A_155] {strides = array<i32>} : memref<457xf32, #tpu.memory_space<vmem>>, vector<16xf32>,
    tpu.vector_store %arg12[%swap3A_155], %get3A_154 {strides = array<i32>} : memref<457xf32, #tpu.memory_space<vmem>>, vector<16xf32>,
    %get3A_157 = arith.constant 12 : i32
    %get3A_158 = arith.index_cast %get3A_157 : i32 to index
    %get3A_159 = arith.constant 5 : index
    %get3A_160 = tpu.vector_load %arg8[%get3A_158, %get3A_159] {strides = array<i32>} : memref<21x21xf32, #tpu.memory_space<vmem>>, vector<16xf32>,
    %swap3A_161 = arith.constant 257 : index
    %swap3A_162 = tpu.vector_load %arg12[%swap3A_161] {strides = array<i32>} : memref<457xf32, #tpu.memory_space<vmem>>, vector<16xf32>,
    tpu.vector_store %arg12[%swap3A_161], %get3A_160 {strides = array<i32>} : memref<457xf32, #tpu.memory_space<vmem>>, vector<16xf32>,
    %get3A_163 = arith.constant 13 : i32
    %get3A_164 = arith.index_cast %get3A_163 : i32 to index
    %get3A_165 = arith.constant 0 : index
    %get3A_166 = tpu.vector_load %arg8[%get3A_164, %get3A_165] {strides = array<i32>} : memref<21x21xf32, #tpu.memory_space<vmem>>, vector<16xf32>,
    %swap3A_167 = arith.constant 273 : index
    %swap3A_168 = tpu.vector_load %arg12[%swap3A_167] {strides = array<i32>} : memref<457xf32, #tpu.memory_space<vmem>>, vector<16xf32>,
    tpu.vector_store %arg12[%swap3A_167], %get3A_166 {strides = array<i32>} : memref<457xf32, #tpu.memory_space<vmem>>, vector<16xf32>,
    %get3A_169 = arith.constant 13 : i32
    %get3A_170 = arith.index_cast %get3A_169 : i32 to index
    %get3A_171 = arith.constant 5 : index
    %get3A_172 = tpu.vector_load %arg8[%get3A_170, %get3A_171] {strides = array<i32>} : memref<21x21xf32, #tpu.memory_space<vmem>>, vector<16xf32>,
    %swap3A_173 = arith.constant 278 : index
    %swap3A_174 = tpu.vector_load %arg12[%swap3A_173] {strides = array<i32>} : memref<457xf32, #tpu.memory_space<vmem>>, vector<16xf32>,
    tpu.vector_store %arg12[%swap3A_173], %get3A_172 {strides = array<i32>} : memref<457xf32, #tpu.memory_space<vmem>>, vector<16xf32>,
    %get3A_175 = arith.constant 14 : i32
    %get3A_176 = arith.index_cast %get3A_175 : i32 to index
    %get3A_177 = arith.constant 0 : index
    %get3A_178 = tpu.vector_load %arg8[%get3A_176, %get3A_177] {strides = array<i32>} : memref<21x21xf32, #tpu.memory_space<vmem>>, vector<16xf32>,
    %swap3A_179 = arith.constant 294 : index
    %swap3A_180 = tpu.vector_load %arg12[%swap3A_179] {strides = array<i32>} : memref<457xf32, #tpu.memory_space<vmem>>, vector<16xf32>,
    tpu.vector_store %arg12[%swap3A_179], %get3A_178 {strides = array<i32>} : memref<457xf32, #tpu.memory_space<vmem>>, vector<16xf32>,
    %get3A_181 = arith.constant 14 : i32
    %get3A_182 = arith.index_cast %get3A_181 : i32 to index
    %get3A_183 = arith.constant 5 : index
    %get3A_184 = tpu.vector_load %arg8[%get3A_182, %get3A_183] {strides = array<i32>} : memref<21x21xf32, #tpu.memory_space<vmem>>, vector<16xf32>,
    %swap3A_185 = arith.constant 299 : index
    %swap3A_186 = tpu.vector_load %arg12[%swap3A_185] {strides = array<i32>} : memref<457xf32, #tpu.memory_space<vmem>>, vector<16xf32>,
    tpu.vector_store %arg12[%swap3A_185], %get3A_184 {strides = array<i32>} : memref<457xf32, #tpu.memory_space<vmem>>, vector<16xf32>,
    %get3A_187 = arith.constant 15 : i32
    %get3A_188 = arith.index_cast %get3A_187 : i32 to index
    %get3A_189 = arith.constant 0 : index
    %get3A_190 = tpu.vector_load %arg8[%get3A_188, %get3A_189] {strides = array<i32>} : memref<21x21xf32, #tpu.memory_space<vmem>>, vector<16xf32>,
    %swap3A_191 = arith.constant 315 : index
    %swap3A_192 = tpu.vector_load %arg12[%swap3A_191] {strides = array<i32>} : memref<457xf32, #tpu.memory_space<vmem>>, vector<16xf32>,
    tpu.vector_store %arg12[%swap3A_191], %get3A_190 {strides = array<i32>} : memref<457xf32, #tpu.memory_space<vmem>>, vector<16xf32>,
    %get3A_193 = arith.constant 15 : i32
    %get3A_194 = arith.index_cast %get3A_193 : i32 to index
    %get3A_195 = arith.constant 5 : index
    %get3A_196 = tpu.vector_load %arg8[%get3A_194, %get3A_195] {strides = array<i32>} : memref<21x21xf32, #tpu.memory_space<vmem>>, vector<16xf32>,
    %swap3A_197 = arith.constant 320 : index
    %swap3A_198 = tpu.vector_load %arg12[%swap3A_197] {strides = array<i32>} : memref<457xf32, #tpu.memory_space<vmem>>, vector<16xf32>,
    tpu.vector_store %arg12[%swap3A_197], %get3A_196 {strides = array<i32>} : memref<457xf32, #tpu.memory_space<vmem>>, vector<16xf32>,
    %get3A_199 = arith.constant 16 : i32
    %get3A_200 = arith.index_cast %get3A_199 : i32 to index
    %get3A_201 = arith.constant 0 : index
    %get3A_202 = tpu.vector_load %arg8[%get3A_200, %get3A_201] {strides = array<i32>} : memref<21x21xf32, #tpu.memory_space<vmem>>, vector<16xf32>,
    %swap3A_203 = arith.constant 336 : index
    %swap3A_204 = tpu.vector_load %arg12[%swap3A_203] {strides = array<i32>} : memref<457xf32, #tpu.memory_space<vmem>>, vector<16xf32>,
    tpu.vector_store %arg12[%swap3A_203], %get3A_202 {strides = array<i32>} : memref<457xf32, #tpu.memory_space<vmem>>, vector<16xf32>,
    %get3A_205 = arith.constant 16 : i32
    %get3A_206 = arith.index_cast %get3A_205 : i32 to index
    %get3A_207 = arith.constant 5 : index
    %get3A_208 = tpu.vector_load %arg8[%get3A_206, %get3A_207] {strides = array<i32>} : memref<21x21xf32, #tpu.memory_space<vmem>>, vector<16xf32>,
    %swap3A_209 = arith.constant 341 : index
    %swap3A_210 = tpu.vector_load %arg12[%swap3A_209] {strides = array<i32>} : memref<457xf32, #tpu.memory_space<vmem>>, vector<16xf32>,
    tpu.vector_store %arg12[%swap3A_209], %get3A_208 {strides = array<i32>} : memref<457xf32, #tpu.memory_space<vmem>>, vector<16xf32>,
    %get3A_211 = arith.constant 17 : i32
    %get3A_212 = arith.index_cast %get3A_211 : i32 to index
    %get3A_213 = arith.constant 0 : index
    %get3A_214 = tpu.vector_load %arg8[%get3A_212, %get3A_213] {strides = array<i32>} : memref<21x21xf32, #tpu.memory_space<vmem>>, vector<16xf32>,
    %swap3A_215 = arith.constant 357 : index
    %swap3A_216 = tpu.vector_load %arg12[%swap3A_215] {strides = array<i32>} : memref<457xf32, #tpu.memory_space<vmem>>, vector<16xf32>,
    tpu.vector_store %arg12[%swap3A_215], %get3A_214 {strides = array<i32>} : memref<457xf32, #tpu.memory_space<vmem>>, vector<16xf32>,
    %get3A_217 = arith.constant 17 : i32
    %get3A_218 = arith.index_cast %get3A_217 : i32 to index
    %get3A_219 = arith.constant 5 : index
    %get3A_220 = tpu.vector_load %arg8[%get3A_218, %get3A_219] {strides = array<i32>} : memref<21x21xf32, #tpu.memory_space<vmem>>, vector<16xf32>,
    %swap3A_221 = arith.constant 362 : index
    %swap3A_222 = tpu.vector_load %arg12[%swap3A_221] {strides = array<i32>} : memref<457xf32, #tpu.memory_space<vmem>>, vector<16xf32>,
    tpu.vector_store %arg12[%swap3A_221], %get3A_220 {strides = array<i32>} : memref<457xf32, #tpu.memory_space<vmem>>, vector<16xf32>,
    %get3A_223 = arith.constant 18 : i32
    %get3A_224 = arith.index_cast %get3A_223 : i32 to index
    %get3A_225 = arith.constant 0 : index
    %get3A_226 = tpu.vector_load %arg8[%get3A_224, %get3A_225] {strides = array<i32>} : memref<21x21xf32, #tpu.memory_space<vmem>>, vector<16xf32>,
    %swap3A_227 = arith.constant 378 : index
    %swap3A_228 = tpu.vector_load %arg12[%swap3A_227] {strides = array<i32>} : memref<457xf32, #tpu.memory_space<vmem>>, vector<16xf32>,
    tpu.vector_store %arg12[%swap3A_227], %get3A_226 {strides = array<i32>} : memref<457xf32, #tpu.memory_space<vmem>>, vector<16xf32>,
    %get3A_229 = arith.constant 18 : i32
    %get3A_230 = arith.index_cast %get3A_229 : i32 to index
    %get3A_231 = arith.constant 5 : index
    %get3A_232 = tpu.vector_load %arg8[%get3A_230, %get3A_231] {strides = array<i32>} : memref<21x21xf32, #tpu.memory_space<vmem>>, vector<16xf32>,
    %swap3A_233 = arith.constant 383 : index
    %swap3A_234 = tpu.vector_load %arg12[%swap3A_233] {strides = array<i32>} : memref<457xf32, #tpu.memory_space<vmem>>, vector<16xf32>,
    tpu.vector_store %arg12[%swap3A_233], %get3A_232 {strides = array<i32>} : memref<457xf32, #tpu.memory_space<vmem>>, vector<16xf32>,
    %get3A_235 = arith.constant 19 : i32
    %get3A_236 = arith.index_cast %get3A_235 : i32 to index
    %get3A_237 = arith.constant 0 : index
    %get3A_238 = tpu.vector_load %arg8[%get3A_236, %get3A_237] {strides = array<i32>} : memref<21x21xf32, #tpu.memory_space<vmem>>, vector<16xf32>,
    %swap3A_239 = arith.constant 399 : index
    %swap3A_240 = tpu.vector_load %arg12[%swap3A_239] {strides = array<i32>} : memref<457xf32, #tpu.memory_space<vmem>>, vector<16xf32>,
    tpu.vector_store %arg12[%swap3A_239], %get3A_238 {strides = array<i32>} : memref<457xf32, #tpu.memory_space<vmem>>, vector<16xf32>,
    %get3A_241 = arith.constant 19 : i32
    %get3A_242 = arith.index_cast %get3A_241 : i32 to index
    %get3A_243 = arith.constant 5 : index
    %get3A_244 = tpu.vector_load %arg8[%get3A_242, %get3A_243] {strides = array<i32>} : memref<21x21xf32, #tpu.memory_space<vmem>>, vector<16xf32>,
    %swap3A_245 = arith.constant 404 : index
    %swap3A_246 = tpu.vector_load %arg12[%swap3A_245] {strides = array<i32>} : memref<457xf32, #tpu.memory_space<vmem>>, vector<16xf32>,
    tpu.vector_store %arg12[%swap3A_245], %get3A_244 {strides = array<i32>} : memref<457xf32, #tpu.memory_space<vmem>>, vector<16xf32>,
    %get3A_247 = arith.constant 20 : i32
    %get3A_248 = arith.index_cast %get3A_247 : i32 to index
    %get3A_249 = arith.constant 0 : index
    %get3A_250 = tpu.vector_load %arg8[%get3A_248, %get3A_249] {strides = array<i32>} : memref<21x21xf32, #tpu.memory_space<vmem>>, vector<16xf32>,
    %swap3A_251 = arith.constant 420 : index
    %swap3A_252 = tpu.vector_load %arg12[%swap3A_251] {strides = array<i32>} : memref<457xf32, #tpu.memory_space<vmem>>, vector<16xf32>,
    tpu.vector_store %arg12[%swap3A_251], %get3A_250 {strides = array<i32>} : memref<457xf32, #tpu.memory_space<vmem>>, vector<16xf32>,
    %get3A_253 = arith.constant 20 : i32
    %get3A_254 = arith.index_cast %get3A_253 : i32 to index
    %get3A_255 = arith.constant 5 : index
    %get3A_256 = tpu.vector_load %arg8[%get3A_254, %get3A_255] {strides = array<i32>} : memref<21x21xf32, #tpu.memory_space<vmem>>, vector<16xf32>,
    %swap3A_257 = arith.constant 425 : index
    %swap3A_258 = tpu.vector_load %arg12[%swap3A_257] {strides = array<i32>} : memref<457xf32, #tpu.memory_space<vmem>>, vector<16xf32>,
    tpu.vector_store %arg12[%swap3A_257], %get3A_256 {strides = array<i32>} : memref<457xf32, #tpu.memory_space<vmem>>, vector<16xf32>,
    %get3A_259 = arith.constant 0 : i32
    %get3A_260 = arith.index_cast %get3A_259 : i32 to index
    %get3A_261 = arith.constant 0 : index
    %get3A_262 = tpu.vector_load %arg9[%get3A_260, %get3A_261] {strides = array<i32>} : memref<21x21xf32, #tpu.memory_space<vmem>>, vector<16xf32>,
    %swap3A_263 = arith.constant 0 : index
    %swap3A_264 = tpu.vector_load %arg13[%swap3A_263] {strides = array<i32>} : memref<457xf32, #tpu.memory_space<vmem>>, vector<16xf32>,
    tpu.vector_store %arg13[%swap3A_263], %get3A_262 {strides = array<i32>} : memref<457xf32, #tpu.memory_space<vmem>>, vector<16xf32>,
    %get3A_265 = arith.constant 0 : i32
    %get3A_266 = arith.index_cast %get3A_265 : i32 to index
    %get3A_267 = arith.constant 5 : index
    %get3A_268 = tpu.vector_load %arg9[%get3A_266, %get3A_267] {strides = array<i32>} : memref<21x21xf32, #tpu.memory_space<vmem>>, vector<16xf32>,
    %swap3A_269 = arith.constant 5 : index
    %swap3A_270 = tpu.vector_load %arg13[%swap3A_269] {strides = array<i32>} : memref<457xf32, #tpu.memory_space<vmem>>, vector<16xf32>,
    tpu.vector_store %arg13[%swap3A_269], %get3A_268 {strides = array<i32>} : memref<457xf32, #tpu.memory_space<vmem>>, vector<16xf32>,
    %get3A_271 = arith.constant 1 : i32
    %get3A_272 = arith.index_cast %get3A_271 : i32 to index
    %get3A_273 = arith.constant 0 : index
    %get3A_274 = tpu.vector_load %arg9[%get3A_272, %get3A_273] {strides = array<i32>} : memref<21x21xf32, #tpu.memory_space<vmem>>, vector<16xf32>,
    %swap3A_275 = arith.constant 21 : index
    %swap3A_276 = tpu.vector_load %arg13[%swap3A_275] {strides = array<i32>} : memref<457xf32, #tpu.memory_space<vmem>>, vector<16xf32>,
    tpu.vector_store %arg13[%swap3A_275], %get3A_274 {strides = array<i32>} : memref<457xf32, #tpu.memory_space<vmem>>, vector<16xf32>,
    %get3A_277 = arith.constant 1 : i32
    %get3A_278 = arith.index_cast %get3A_277 : i32 to index
    %get3A_279 = arith.constant 5 : index
    %get3A_280 = tpu.vector_load %arg9[%get3A_278, %get3A_279] {strides = array<i32>} : memref<21x21xf32, #tpu.memory_space<vmem>>, vector<16xf32>,
    %swap3A_281 = arith.constant 26 : index
    %swap3A_282 = tpu.vector_load %arg13[%swap3A_281] {strides = array<i32>} : memref<457xf32, #tpu.memory_space<vmem>>, vector<16xf32>,
    tpu.vector_store %arg13[%swap3A_281], %get3A_280 {strides = array<i32>} : memref<457xf32, #tpu.memory_space<vmem>>, vector<16xf32>,
    %get3A_283 = arith.constant 2 : i32
    %get3A_284 = arith.index_cast %get3A_283 : i32 to index
    %get3A_285 = arith.constant 0 : index
    %get3A_286 = tpu.vector_load %arg9[%get3A_284, %get3A_285] {strides = array<i32>} : memref<21x21xf32, #tpu.memory_space<vmem>>, vector<16xf32>,
    %swap3A_287 = arith.constant 42 : index
    %swap3A_288 = tpu.vector_load %arg13[%swap3A_287] {strides = array<i32>} : memref<457xf32, #tpu.memory_space<vmem>>, vector<16xf32>,
    tpu.vector_store %arg13[%swap3A_287], %get3A_286 {strides = array<i32>} : memref<457xf32, #tpu.memory_space<vmem>>, vector<16xf32>,
    %get3A_289 = arith.constant 2 : i32
    %get3A_290 = arith.index_cast %get3A_289 : i32 to index
    %get3A_291 = arith.constant 5 : index
    %get3A_292 = tpu.vector_load %arg9[%get3A_290, %get3A_291] {strides = array<i32>} : memref<21x21xf32, #tpu.memory_space<vmem>>, vector<16xf32>,
    %swap3A_293 = arith.constant 47 : index
    %swap3A_294 = tpu.vector_load %arg13[%swap3A_293] {strides = array<i32>} : memref<457xf32, #tpu.memory_space<vmem>>, vector<16xf32>,
    tpu.vector_store %arg13[%swap3A_293], %get3A_292 {strides = array<i32>} : memref<457xf32, #tpu.memory_space<vmem>>, vector<16xf32>,
    %get3A_295 = arith.constant 3 : i32
    %get3A_296 = arith.index_cast %get3A_295 : i32 to index
    %get3A_297 = arith.constant 0 : index
    %get3A_298 = tpu.vector_load %arg9[%get3A_296, %get3A_297] {strides = array<i32>} : memref<21x21xf32, #tpu.memory_space<vmem>>, vector<16xf32>,
    %swap3A_299 = arith.constant 63 : index
    %swap3A_300 = tpu.vector_load %arg13[%swap3A_299] {strides = array<i32>} : memref<457xf32, #tpu.memory_space<vmem>>, vector<16xf32>,
    tpu.vector_store %arg13[%swap3A_299], %get3A_298 {strides = array<i32>} : memref<457xf32, #tpu.memory_space<vmem>>, vector<16xf32>,
    %get3A_301 = arith.constant 3 : i32
    %get3A_302 = arith.index_cast %get3A_301 : i32 to index
    %get3A_303 = arith.constant 5 : index
    %get3A_304 = tpu.vector_load %arg9[%get3A_302, %get3A_303] {strides = array<i32>} : memref<21x21xf32, #tpu.memory_space<vmem>>, vector<16xf32>,
    %swap3A_305 = arith.constant 68 : index
    %swap3A_306 = tpu.vector_load %arg13[%swap3A_305] {strides = array<i32>} : memref<457xf32, #tpu.memory_space<vmem>>, vector<16xf32>,
    tpu.vector_store %arg13[%swap3A_305], %get3A_304 {strides = array<i32>} : memref<457xf32, #tpu.memory_space<vmem>>, vector<16xf32>,
    %get3A_307 = arith.constant 4 : i32
    %get3A_308 = arith.index_cast %get3A_307 : i32 to index
    %get3A_309 = arith.constant 0 : index
    %get3A_310 = tpu.vector_load %arg9[%get3A_308, %get3A_309] {strides = array<i32>} : memref<21x21xf32, #tpu.memory_space<vmem>>, vector<16xf32>,
    %swap3A_311 = arith.constant 84 : index
    %swap3A_312 = tpu.vector_load %arg13[%swap3A_311] {strides = array<i32>} : memref<457xf32, #tpu.memory_space<vmem>>, vector<16xf32>,
    tpu.vector_store %arg13[%swap3A_311], %get3A_310 {strides = array<i32>} : memref<457xf32, #tpu.memory_space<vmem>>, vector<16xf32>,
    %get3A_313 = arith.constant 4 : i32
    %get3A_314 = arith.index_cast %get3A_313 : i32 to index
    %get3A_315 = arith.constant 5 : index
    %get3A_316 = tpu.vector_load %arg9[%get3A_314, %get3A_315] {strides = array<i32>} : memref<21x21xf32, #tpu.memory_space<vmem>>, vector<16xf32>,
    %swap3A_317 = arith.constant 89 : index
    %swap3A_318 = tpu.vector_load %arg13[%swap3A_317] {strides = array<i32>} : memref<457xf32, #tpu.memory_space<vmem>>, vector<16xf32>,
    tpu.vector_store %arg13[%swap3A_317], %get3A_316 {strides = array<i32>} : memref<457xf32, #tpu.memory_space<vmem>>, vector<16xf32>,
    %get3A_319 = arith.constant 5 : i32
    %get3A_320 = arith.index_cast %get3A_319 : i32 to index
    %get3A_321 = arith.constant 0 : index
    %get3A_322 = tpu.vector_load %arg9[%get3A_320, %get3A_321] {strides = array<i32>} : memref<21x21xf32, #tpu.memory_space<vmem>>, vector<16xf32>,
    %swap3A_323 = arith.constant 105 : index
    %swap3A_324 = tpu.vector_load %arg13[%swap3A_323] {strides = array<i32>} : memref<457xf32, #tpu.memory_space<vmem>>, vector<16xf32>,
    tpu.vector_store %arg13[%swap3A_323], %get3A_322 {strides = array<i32>} : memref<457xf32, #tpu.memory_space<vmem>>, vector<16xf32>,
    %get3A_325 = arith.constant 5 : i32
    %get3A_326 = arith.index_cast %get3A_325 : i32 to index
    %get3A_327 = arith.constant 5 : index
    %get3A_328 = tpu.vector_load %arg9[%get3A_326, %get3A_327] {strides = array<i32>} : memref<21x21xf32, #tpu.memory_space<vmem>>, vector<16xf32>,
    %swap3A_329 = arith.constant 110 : index
    %swap3A_330 = tpu.vector_load %arg13[%swap3A_329] {strides = array<i32>} : memref<457xf32, #tpu.memory_space<vmem>>, vector<16xf32>,
    tpu.vector_store %arg13[%swap3A_329], %get3A_328 {strides = array<i32>} : memref<457xf32, #tpu.memory_space<vmem>>, vector<16xf32>,
    %get3A_331 = arith.constant 6 : i32
    %get3A_332 = arith.index_cast %get3A_331 : i32 to index
    %get3A_333 = arith.constant 0 : index
    %get3A_334 = tpu.vector_load %arg9[%get3A_332, %get3A_333] {strides = array<i32>} : memref<21x21xf32, #tpu.memory_space<vmem>>, vector<16xf32>,
    %swap3A_335 = arith.constant 126 : index
    %swap3A_336 = tpu.vector_load %arg13[%swap3A_335] {strides = array<i32>} : memref<457xf32, #tpu.memory_space<vmem>>, vector<16xf32>,
    tpu.vector_store %arg13[%swap3A_335], %get3A_334 {strides = array<i32>} : memref<457xf32, #tpu.memory_space<vmem>>, vector<16xf32>,
    %get3A_337 = arith.constant 6 : i32
    %get3A_338 = arith.index_cast %get3A_337 : i32 to index
    %get3A_339 = arith.constant 5 : index
    %get3A_340 = tpu.vector_load %arg9[%get3A_338, %get3A_339] {strides = array<i32>} : memref<21x21xf32, #tpu.memory_space<vmem>>, vector<16xf32>,
    %swap3A_341 = arith.constant 131 : index
    %swap3A_342 = tpu.vector_load %arg13[%swap3A_341] {strides = array<i32>} : memref<457xf32, #tpu.memory_space<vmem>>, vector<16xf32>,
    tpu.vector_store %arg13[%swap3A_341], %get3A_340 {strides = array<i32>} : memref<457xf32, #tpu.memory_space<vmem>>, vector<16xf32>,
    %get3A_343 = arith.constant 7 : i32
    %get3A_344 = arith.index_cast %get3A_343 : i32 to index
    %get3A_345 = arith.constant 0 : index
    %get3A_346 = tpu.vector_load %arg9[%get3A_344, %get3A_345] {strides = array<i32>} : memref<21x21xf32, #tpu.memory_space<vmem>>, vector<16xf32>,
    %swap3A_347 = arith.constant 147 : index
    %swap3A_348 = tpu.vector_load %arg13[%swap3A_347] {strides = array<i32>} : memref<457xf32, #tpu.memory_space<vmem>>, vector<16xf32>,
    tpu.vector_store %arg13[%swap3A_347], %get3A_346 {strides = array<i32>} : memref<457xf32, #tpu.memory_space<vmem>>, vector<16xf32>,
    %get3A_349 = arith.constant 7 : i32
    %get3A_350 = arith.index_cast %get3A_349 : i32 to index
    %get3A_351 = arith.constant 5 : index
    %get3A_352 = tpu.vector_load %arg9[%get3A_350, %get3A_351] {strides = array<i32>} : memref<21x21xf32, #tpu.memory_space<vmem>>, vector<16xf32>,
    %swap3A_353 = arith.constant 152 : index
    %swap3A_354 = tpu.vector_load %arg13[%swap3A_353] {strides = array<i32>} : memref<457xf32, #tpu.memory_space<vmem>>, vector<16xf32>,
    tpu.vector_store %arg13[%swap3A_353], %get3A_352 {strides = array<i32>} : memref<457xf32, #tpu.memory_space<vmem>>, vector<16xf32>,
    %get3A_355 = arith.constant 8 : i32
    %get3A_356 = arith.index_cast %get3A_355 : i32 to index
    %get3A_357 = arith.constant 0 : index
    %get3A_358 = tpu.vector_load %arg9[%get3A_356, %get3A_357] {strides = array<i32>} : memref<21x21xf32, #tpu.memory_space<vmem>>, vector<16xf32>,
    %swap3A_359 = arith.constant 168 : index
    %swap3A_360 = tpu.vector_load %arg13[%swap3A_359] {strides = array<i32>} : memref<457xf32, #tpu.memory_space<vmem>>, vector<16xf32>,
    tpu.vector_store %arg13[%swap3A_359], %get3A_358 {strides = array<i32>} : memref<457xf32, #tpu.memory_space<vmem>>, vector<16xf32>,
    %get3A_361 = arith.constant 8 : i32
    %get3A_362 = arith.index_cast %get3A_361 : i32 to index
    %get3A_363 = arith.constant 5 : index
    %get3A_364 = tpu.vector_load %arg9[%get3A_362, %get3A_363] {strides = array<i32>} : memref<21x21xf32, #tpu.memory_space<vmem>>, vector<16xf32>,
    %swap3A_365 = arith.constant 173 : index
    %swap3A_366 = tpu.vector_load %arg13[%swap3A_365] {strides = array<i32>} : memref<457xf32, #tpu.memory_space<vmem>>, vector<16xf32>,
    tpu.vector_store %arg13[%swap3A_365], %get3A_364 {strides = array<i32>} : memref<457xf32, #tpu.memory_space<vmem>>, vector<16xf32>,
    %get3A_367 = arith.constant 9 : i32
    %get3A_368 = arith.index_cast %get3A_367 : i32 to index
    %get3A_369 = arith.constant 0 : index
    %get3A_370 = tpu.vector_load %arg9[%get3A_368, %get3A_369] {strides = array<i32>} : memref<21x21xf32, #tpu.memory_space<vmem>>, vector<16xf32>,
    %swap3A_371 = arith.constant 189 : index
    %swap3A_372 = tpu.vector_load %arg13[%swap3A_371] {strides = array<i32>} : memref<457xf32, #tpu.memory_space<vmem>>, vector<16xf32>,
    tpu.vector_store %arg13[%swap3A_371], %get3A_370 {strides = array<i32>} : memref<457xf32, #tpu.memory_space<vmem>>, vector<16xf32>,
    %get3A_373 = arith.constant 9 : i32
    %get3A_374 = arith.index_cast %get3A_373 : i32 to index
    %get3A_375 = arith.constant 5 : index
    %get3A_376 = tpu.vector_load %arg9[%get3A_374, %get3A_375] {strides = array<i32>} : memref<21x21xf32, #tpu.memory_space<vmem>>, vector<16xf32>,
    %swap3A_377 = arith.constant 194 : index
    %swap3A_378 = tpu.vector_load %arg13[%swap3A_377] {strides = array<i32>} : memref<457xf32, #tpu.memory_space<vmem>>, vector<16xf32>,
    tpu.vector_store %arg13[%swap3A_377], %get3A_376 {strides = array<i32>} : memref<457xf32, #tpu.memory_space<vmem>>, vector<16xf32>,
    %get3A_379 = arith.constant 10 : i32
    %get3A_380 = arith.index_cast %get3A_379 : i32 to index
    %get3A_381 = arith.constant 0 : index
    %get3A_382 = tpu.vector_load %arg9[%get3A_380, %get3A_381] {strides = array<i32>} : memref<21x21xf32, #tpu.memory_space<vmem>>, vector<16xf32>,
    %swap3A_383 = arith.constant 210 : index
    %swap3A_384 = tpu.vector_load %arg13[%swap3A_383] {strides = array<i32>} : memref<457xf32, #tpu.memory_space<vmem>>, vector<16xf32>,
    tpu.vector_store %arg13[%swap3A_383], %get3A_382 {strides = array<i32>} : memref<457xf32, #tpu.memory_space<vmem>>, vector<16xf32>,
    %get3A_385 = arith.constant 10 : i32
    %get3A_386 = arith.index_cast %get3A_385 : i32 to index
    %get3A_387 = arith.constant 5 : index
    %get3A_388 = tpu.vector_load %arg9[%get3A_386, %get3A_387] {strides = array<i32>} : memref<21x21xf32, #tpu.memory_space<vmem>>, vector<16xf32>,
    %swap3A_389 = arith.constant 215 : index
    %swap3A_390 = tpu.vector_load %arg13[%swap3A_389] {strides = array<i32>} : memref<457xf32, #tpu.memory_space<vmem>>, vector<16xf32>,
    tpu.vector_store %arg13[%swap3A_389], %get3A_388 {strides = array<i32>} : memref<457xf32, #tpu.memory_space<vmem>>, vector<16xf32>,
    %get3A_391 = arith.constant 11 : i32
    %get3A_392 = arith.index_cast %get3A_391 : i32 to index
    %get3A_393 = arith.constant 0 : index
    %get3A_394 = tpu.vector_load %arg9[%get3A_392, %get3A_393] {strides = array<i32>} : memref<21x21xf32, #tpu.memory_space<vmem>>, vector<16xf32>,
    %swap3A_395 = arith.constant 231 : index
    %swap3A_396 = tpu.vector_load %arg13[%swap3A_395] {strides = array<i32>} : memref<457xf32, #tpu.memory_space<vmem>>, vector<16xf32>,
    tpu.vector_store %arg13[%swap3A_395], %get3A_394 {strides = array<i32>} : memref<457xf32, #tpu.memory_space<vmem>>, vector<16xf32>,
    %get3A_397 = arith.constant 11 : i32
    %get3A_398 = arith.index_cast %get3A_397 : i32 to index
    %get3A_399 = arith.constant 5 : index
    %get3A_400 = tpu.vector_load %arg9[%get3A_398, %get3A_399] {strides = array<i32>} : memref<21x21xf32, #tpu.memory_space<vmem>>, vector<16xf32>,
    %swap3A_401 = arith.constant 236 : index
    %swap3A_402 = tpu.vector_load %arg13[%swap3A_401] {strides = array<i32>} : memref<457xf32, #tpu.memory_space<vmem>>, vector<16xf32>,
    tpu.vector_store %arg13[%swap3A_401], %get3A_400 {strides = array<i32>} : memref<457xf32, #tpu.memory_space<vmem>>, vector<16xf32>,
    %get3A_403 = arith.constant 12 : i32
    %get3A_404 = arith.index_cast %get3A_403 : i32 to index
    %get3A_405 = arith.constant 0 : index
    %get3A_406 = tpu.vector_load %arg9[%get3A_404, %get3A_405] {strides = array<i32>} : memref<21x21xf32, #tpu.memory_space<vmem>>, vector<16xf32>,
    %swap3A_407 = arith.constant 252 : index
    %swap3A_408 = tpu.vector_load %arg13[%swap3A_407] {strides = array<i32>} : memref<457xf32, #tpu.memory_space<vmem>>, vector<16xf32>,
    tpu.vector_store %arg13[%swap3A_407], %get3A_406 {strides = array<i32>} : memref<457xf32, #tpu.memory_space<vmem>>, vector<16xf32>,
    %get3A_409 = arith.constant 12 : i32
    %get3A_410 = arith.index_cast %get3A_409 : i32 to index
    %get3A_411 = arith.constant 5 : index
    %get3A_412 = tpu.vector_load %arg9[%get3A_410, %get3A_411] {strides = array<i32>} : memref<21x21xf32, #tpu.memory_space<vmem>>, vector<16xf32>,
    %swap3A_413 = arith.constant 257 : index
    %swap3A_414 = tpu.vector_load %arg13[%swap3A_413] {strides = array<i32>} : memref<457xf32, #tpu.memory_space<vmem>>, vector<16xf32>,
    tpu.vector_store %arg13[%swap3A_413], %get3A_412 {strides = array<i32>} : memref<457xf32, #tpu.memory_space<vmem>>, vector<16xf32>,
    %get3A_415 = arith.constant 13 : i32
    %get3A_416 = arith.index_cast %get3A_415 : i32 to index
    %get3A_417 = arith.constant 0 : index
    %get3A_418 = tpu.vector_load %arg9[%get3A_416, %get3A_417] {strides = array<i32>} : memref<21x21xf32, #tpu.memory_space<vmem>>, vector<16xf32>,
    %swap3A_419 = arith.constant 273 : index
    %swap3A_420 = tpu.vector_load %arg13[%swap3A_419] {strides = array<i32>} : memref<457xf32, #tpu.memory_space<vmem>>, vector<16xf32>,
    tpu.vector_store %arg13[%swap3A_419], %get3A_418 {strides = array<i32>} : memref<457xf32, #tpu.memory_space<vmem>>, vector<16xf32>,
    %get3A_421 = arith.constant 13 : i32
    %get3A_422 = arith.index_cast %get3A_421 : i32 to index
    %get3A_423 = arith.constant 5 : index
    %get3A_424 = tpu.vector_load %arg9[%get3A_422, %get3A_423] {strides = array<i32>} : memref<21x21xf32, #tpu.memory_space<vmem>>, vector<16xf32>,
    %swap3A_425 = arith.constant 278 : index
    %swap3A_426 = tpu.vector_load %arg13[%swap3A_425] {strides = array<i32>} : memref<457xf32, #tpu.memory_space<vmem>>, vector<16xf32>,
    tpu.vector_store %arg13[%swap3A_425], %get3A_424 {strides = array<i32>} : memref<457xf32, #tpu.memory_space<vmem>>, vector<16xf32>,
    %get3A_427 = arith.constant 14 : i32
    %get3A_428 = arith.index_cast %get3A_427 : i32 to index
    %get3A_429 = arith.constant 0 : index
    %get3A_430 = tpu.vector_load %arg9[%get3A_428, %get3A_429] {strides = array<i32>} : memref<21x21xf32, #tpu.memory_space<vmem>>, vector<16xf32>,
    %swap3A_431 = arith.constant 294 : index
    %swap3A_432 = tpu.vector_load %arg13[%swap3A_431] {strides = array<i32>} : memref<457xf32, #tpu.memory_space<vmem>>, vector<16xf32>,
    tpu.vector_store %arg13[%swap3A_431], %get3A_430 {strides = array<i32>} : memref<457xf32, #tpu.memory_space<vmem>>, vector<16xf32>,
    %get3A_433 = arith.constant 14 : i32
    %get3A_434 = arith.index_cast %get3A_433 : i32 to index
    %get3A_435 = arith.constant 5 : index
    %get3A_436 = tpu.vector_load %arg9[%get3A_434, %get3A_435] {strides = array<i32>} : memref<21x21xf32, #tpu.memory_space<vmem>>, vector<16xf32>,
    %swap3A_437 = arith.constant 299 : index
    %swap3A_438 = tpu.vector_load %arg13[%swap3A_437] {strides = array<i32>} : memref<457xf32, #tpu.memory_space<vmem>>, vector<16xf32>,
    tpu.vector_store %arg13[%swap3A_437], %get3A_436 {strides = array<i32>} : memref<457xf32, #tpu.memory_space<vmem>>, vector<16xf32>,
    %get3A_439 = arith.constant 15 : i32
    %get3A_440 = arith.index_cast %get3A_439 : i32 to index
    %get3A_441 = arith.constant 0 : index
    %get3A_442 = tpu.vector_load %arg9[%get3A_440, %get3A_441] {strides = array<i32>} : memref<21x21xf32, #tpu.memory_space<vmem>>, vector<16xf32>,
    %swap3A_443 = arith.constant 315 : index
    %swap3A_444 = tpu.vector_load %arg13[%swap3A_443] {strides = array<i32>} : memref<457xf32, #tpu.memory_space<vmem>>, vector<16xf32>,
    tpu.vector_store %arg13[%swap3A_443], %get3A_442 {strides = array<i32>} : memref<457xf32, #tpu.memory_space<vmem>>, vector<16xf32>,
    %get3A_445 = arith.constant 15 : i32
    %get3A_446 = arith.index_cast %get3A_445 : i32 to index
    %get3A_447 = arith.constant 5 : index
    %get3A_448 = tpu.vector_load %arg9[%get3A_446, %get3A_447] {strides = array<i32>} : memref<21x21xf32, #tpu.memory_space<vmem>>, vector<16xf32>,
    %swap3A_449 = arith.constant 320 : index
    %swap3A_450 = tpu.vector_load %arg13[%swap3A_449] {strides = array<i32>} : memref<457xf32, #tpu.memory_space<vmem>>, vector<16xf32>,
    tpu.vector_store %arg13[%swap3A_449], %get3A_448 {strides = array<i32>} : memref<457xf32, #tpu.memory_space<vmem>>, vector<16xf32>,
    %get3A_451 = arith.constant 16 : i32
    %get3A_452 = arith.index_cast %get3A_451 : i32 to index
    %get3A_453 = arith.constant 0 : index
    %get3A_454 = tpu.vector_load %arg9[%get3A_452, %get3A_453] {strides = array<i32>} : memref<21x21xf32, #tpu.memory_space<vmem>>, vector<16xf32>,
    %swap3A_455 = arith.constant 336 : index
    %swap3A_456 = tpu.vector_load %arg13[%swap3A_455] {strides = array<i32>} : memref<457xf32, #tpu.memory_space<vmem>>, vector<16xf32>,
    tpu.vector_store %arg13[%swap3A_455], %get3A_454 {strides = array<i32>} : memref<457xf32, #tpu.memory_space<vmem>>, vector<16xf32>,
    %get3A_457 = arith.constant 16 : i32
    %get3A_458 = arith.index_cast %get3A_457 : i32 to index
    %get3A_459 = arith.constant 5 : index
    %get3A_460 = tpu.vector_load %arg9[%get3A_458, %get3A_459] {strides = array<i32>} : memref<21x21xf32, #tpu.memory_space<vmem>>, vector<16xf32>,
    %swap3A_461 = arith.constant 341 : index
    %swap3A_462 = tpu.vector_load %arg13[%swap3A_461] {strides = array<i32>} : memref<457xf32, #tpu.memory_space<vmem>>, vector<16xf32>,
    tpu.vector_store %arg13[%swap3A_461], %get3A_460 {strides = array<i32>} : memref<457xf32, #tpu.memory_space<vmem>>, vector<16xf32>,
    %get3A_463 = arith.constant 17 : i32
    %get3A_464 = arith.index_cast %get3A_463 : i32 to index
    %get3A_465 = arith.constant 0 : index
    %get3A_466 = tpu.vector_load %arg9[%get3A_464, %get3A_465] {strides = array<i32>} : memref<21x21xf32, #tpu.memory_space<vmem>>, vector<16xf32>,
    %swap3A_467 = arith.constant 357 : index
    %swap3A_468 = tpu.vector_load %arg13[%swap3A_467] {strides = array<i32>} : memref<457xf32, #tpu.memory_space<vmem>>, vector<16xf32>,
    tpu.vector_store %arg13[%swap3A_467], %get3A_466 {strides = array<i32>} : memref<457xf32, #tpu.memory_space<vmem>>, vector<16xf32>,
    %get3A_469 = arith.constant 17 : i32
    %get3A_470 = arith.index_cast %get3A_469 : i32 to index
    %get3A_471 = arith.constant 5 : index
    %get3A_472 = tpu.vector_load %arg9[%get3A_470, %get3A_471] {strides = array<i32>} : memref<21x21xf32, #tpu.memory_space<vmem>>, vector<16xf32>,
    %swap3A_473 = arith.constant 362 : index
    %swap3A_474 = tpu.vector_load %arg13[%swap3A_473] {strides = array<i32>} : memref<457xf32, #tpu.memory_space<vmem>>, vector<16xf32>,
    tpu.vector_store %arg13[%swap3A_473], %get3A_472 {strides = array<i32>} : memref<457xf32, #tpu.memory_space<vmem>>, vector<16xf32>,
    %get3A_475 = arith.constant 18 : i32
    %get3A_476 = arith.index_cast %get3A_475 : i32 to index
    %get3A_477 = arith.constant 0 : index
    %get3A_478 = tpu.vector_load %arg9[%get3A_476, %get3A_477] {strides = array<i32>} : memref<21x21xf32, #tpu.memory_space<vmem>>, vector<16xf32>,
    %swap3A_479 = arith.constant 378 : index
    %swap3A_480 = tpu.vector_load %arg13[%swap3A_479] {strides = array<i32>} : memref<457xf32, #tpu.memory_space<vmem>>, vector<16xf32>,
    tpu.vector_store %arg13[%swap3A_479], %get3A_478 {strides = array<i32>} : memref<457xf32, #tpu.memory_space<vmem>>, vector<16xf32>,
    %get3A_481 = arith.constant 18 : i32
    %get3A_482 = arith.index_cast %get3A_481 : i32 to index
    %get3A_483 = arith.constant 5 : index
    %get3A_484 = tpu.vector_load %arg9[%get3A_482, %get3A_483] {strides = array<i32>} : memref<21x21xf32, #tpu.memory_space<vmem>>, vector<16xf32>,
    %swap3A_485 = arith.constant 383 : index
    %swap3A_486 = tpu.vector_load %arg13[%swap3A_485] {strides = array<i32>} : memref<457xf32, #tpu.memory_space<vmem>>, vector<16xf32>,
    tpu.vector_store %arg13[%swap3A_485], %get3A_484 {strides = array<i32>} : memref<457xf32, #tpu.memory_space<vmem>>, vector<16xf32>,
    %get3A_487 = arith.constant 19 : i32
    %get3A_488 = arith.index_cast %get3A_487 : i32 to index
    %get3A_489 = arith.constant 0 : index
    %get3A_490 = tpu.vector_load %arg9[%get3A_488, %get3A_489] {strides = array<i32>} : memref<21x21xf32, #tpu.memory_space<vmem>>, vector<16xf32>,
    %swap3A_491 = arith.constant 399 : index
    %swap3A_492 = tpu.vector_load %arg13[%swap3A_491] {strides = array<i32>} : memref<457xf32, #tpu.memory_space<vmem>>, vector<16xf32>,
    tpu.vector_store %arg13[%swap3A_491], %get3A_490 {strides = array<i32>} : memref<457xf32, #tpu.memory_space<vmem>>, vector<16xf32>,
    %get3A_493 = arith.constant 19 : i32
    %get3A_494 = arith.index_cast %get3A_493 : i32 to index
    %get3A_495 = arith.constant 5 : index
    %get3A_496 = tpu.vector_load %arg9[%get3A_494, %get3A_495] {strides = array<i32>} : memref<21x21xf32, #tpu.memory_space<vmem>>, vector<16xf32>,
    %swap3A_497 = arith.constant 404 : index
    %swap3A_498 = tpu.vector_load %arg13[%swap3A_497] {strides = array<i32>} : memref<457xf32, #tpu.memory_space<vmem>>, vector<16xf32>,
    tpu.vector_store %arg13[%swap3A_497], %get3A_496 {strides = array<i32>} : memref<457xf32, #tpu.memory_space<vmem>>, vector<16xf32>,
    %get3A_499 = arith.constant 20 : i32
    %get3A_500 = arith.index_cast %get3A_499 : i32 to index
    %get3A_501 = arith.constant 0 : index
    %get3A_502 = tpu.vector_load %arg9[%get3A_500, %get3A_501] {strides = array<i32>} : memref<21x21xf32, #tpu.memory_space<vmem>>, vector<16xf32>,
    %swap3A_503 = arith.constant 420 : index
    %swap3A_504 = tpu.vector_load %arg13[%swap3A_503] {strides = array<i32>} : memref<457xf32, #tpu.memory_space<vmem>>, vector<16xf32>,
    tpu.vector_store %arg13[%swap3A_503], %get3A_502 {strides = array<i32>} : memref<457xf32, #tpu.memory_space<vmem>>, vector<16xf32>,
    %get3A_505 = arith.constant 20 : i32
    %get3A_506 = arith.index_cast %get3A_505 : i32 to index
    %get3A_507 = arith.constant 5 : index
    %get3A_508 = tpu.vector_load %arg9[%get3A_506, %get3A_507] {strides = array<i32>} : memref<21x21xf32, #tpu.memory_space<vmem>>, vector<16xf32>,
    %swap3A_509 = arith.constant 425 : index
    %swap3A_510 = tpu.vector_load %arg13[%swap3A_509] {strides = array<i32>} : memref<457xf32, #tpu.memory_space<vmem>>, vector<16xf32>,
    tpu.vector_store %arg13[%swap3A_509], %get3A_508 {strides = array<i32>} : memref<457xf32, #tpu.memory_space<vmem>>, vector<16xf32>,
    %broadcast_in_dim3A = arith.constant 0 : i32
    %broadcast_in_dim3A_511 = vector.broadcast %broadcast_in_dim3A : i32 to vector<16xi32>
    %min3A = arith.constant 5 : i32
    %min3A_512 = vector.broadcast %min3A : i32 to vector<16xi32>
    %min3A_513 = arith.minsi %iota3A, %min3A_512 : vector<16xi32>
    %gather3A = tpu.vector_load_idx %arg10[%broadcast_in_dim3A_511, %min3A_513] : memref<6x6xf32, #tpu.memory_space<vmem>>[vector<16xi32>, vector<16xi32>], vector<16xf32>,
    %add3A_514 = arith.constant 0 : i32
    %add3A_515 = vector.broadcast %add3A_514 : i32 to vector<16xi32>
    %add3A_516 = arith.addi %add3A_515, %iota3A : vector<16xi32>
    %lt3A = arith.constant 6 : i32
    %lt3A_517 = vector.broadcast %lt3A : i32 to vector<16xi32>
    %lt3A_518 = arith.cmpi slt, %iota3A, %lt3A_517 : vector<16xi32>
    tpu.vector_store_idx %arg14[%add3A_516], %gather3A masked %lt3A_518 : memref<52xf32, #tpu.memory_space<vmem>>[vector<16xi32>], vector<16xf32>, vector<16xi1>
    %broadcast_in_dim3A_519 = arith.constant 1 : i32
    %broadcast_in_dim3A_520 = vector.broadcast %broadcast_in_dim3A_519 : i32 to vector<16xi32>
    %min3A_521 = arith.constant 5 : i32
    %min3A_522 = vector.broadcast %min3A_521 : i32 to vector<16xi32>
    %min3A_523 = arith.minsi %iota3A, %min3A_522 : vector<16xi32>
    %gather3A_524 = tpu.vector_load_idx %arg10[%broadcast_in_dim3A_520, %min3A_523] : memref<6x6xf32, #tpu.memory_space<vmem>>[vector<16xi32>, vector<16xi32>], vector<16xf32>,
    %add3A_525 = arith.constant 6 : i32
    %add3A_526 = vector.broadcast %add3A_525 : i32 to vector<16xi32>
    %add3A_527 = arith.addi %add3A_526, %iota3A : vector<16xi32>
    %lt3A_528 = arith.constant 6 : i32
    %lt3A_529 = vector.broadcast %lt3A_528 : i32 to vector<16xi32>
    %lt3A_530 = arith.cmpi slt, %iota3A, %lt3A_529 : vector<16xi32>
    tpu.vector_store_idx %arg14[%add3A_527], %gather3A_524 masked %lt3A_530 : memref<52xf32, #tpu.memory_space<vmem>>[vector<16xi32>], vector<16xf32>, vector<16xi1>
    %broadcast_in_dim3A_531 = arith.constant 2 : i32
    %broadcast_in_dim3A_532 = vector.broadcast %broadcast_in_dim3A_531 : i32 to vector<16xi32>
    %min3A_533 = arith.constant 5 : i32
    %min3A_534 = vector.broadcast %min3A_533 : i32 to vector<16xi32>
    %min3A_535 = arith.minsi %iota3A, %min3A_534 : vector<16xi32>
    %gather3A_536 = tpu.vector_load_idx %arg10[%broadcast_in_dim3A_532, %min3A_535] : memref<6x6xf32, #tpu.memory_space<vmem>>[vector<16xi32>, vector<16xi32>], vector<16xf32>,
    %add3A_537 = arith.constant 12 : i32
    %add3A_538 = vector.broadcast %add3A_537 : i32 to vector<16xi32>
    %add3A_539 = arith.addi %add3A_538, %iota3A : vector<16xi32>
    %lt3A_540 = arith.constant 6 : i32
    %lt3A_541 = vector.broadcast %lt3A_540 : i32 to vector<16xi32>
    %lt3A_542 = arith.cmpi slt, %iota3A, %lt3A_541 : vector<16xi32>
    tpu.vector_store_idx %arg14[%add3A_539], %gather3A_536 masked %lt3A_542 : memref<52xf32, #tpu.memory_space<vmem>>[vector<16xi32>], vector<16xf32>, vector<16xi1>
    %broadcast_in_dim3A_543 = arith.constant 3 : i32
    %broadcast_in_dim3A_544 = vector.broadcast %broadcast_in_dim3A_543 : i32 to vector<16xi32>
    %min3A_545 = arith.constant 5 : i32
    %min3A_546 = vector.broadcast %min3A_545 : i32 to vector<16xi32>
    %min3A_547 = arith.minsi %iota3A, %min3A_546 : vector<16xi32>
    %gather3A_548 = tpu.vector_load_idx %arg10[%broadcast_in_dim3A_544, %min3A_547] : memref<6x6xf32, #tpu.memory_space<vmem>>[vector<16xi32>, vector<16xi32>], vector<16xf32>,
    %add3A_549 = arith.constant 18 : i32
    %add3A_550 = vector.broadcast %add3A_549 : i32 to vector<16xi32>
    %add3A_551 = arith.addi %add3A_550, %iota3A : vector<16xi32>
    %lt3A_552 = arith.constant 6 : i32
    %lt3A_553 = vector.broadcast %lt3A_552 : i32 to vector<16xi32>
    %lt3A_554 = arith.cmpi slt, %iota3A, %lt3A_553 : vector<16xi32>
    tpu.vector_store_idx %arg14[%add3A_551], %gather3A_548 masked %lt3A_554 : memref<52xf32, #tpu.memory_space<vmem>>[vector<16xi32>], vector<16xf32>, vector<16xi1>
    %broadcast_in_dim3A_555 = arith.constant 4 : i32
    %broadcast_in_dim3A_556 = vector.broadcast %broadcast_in_dim3A_555 : i32 to vector<16xi32>
    %min3A_557 = arith.constant 5 : i32
    %min3A_558 = vector.broadcast %min3A_557 : i32 to vector<16xi32>
    %min3A_559 = arith.minsi %iota3A, %min3A_558 : vector<16xi32>
    %gather3A_560 = tpu.vector_load_idx %arg10[%broadcast_in_dim3A_556, %min3A_559] : memref<6x6xf32, #tpu.memory_space<vmem>>[vector<16xi32>, vector<16xi32>], vector<16xf32>,
    %add3A_561 = arith.constant 24 : i32
    %add3A_562 = vector.broadcast %add3A_561 : i32 to vector<16xi32>
    %add3A_563 = arith.addi %add3A_562, %iota3A : vector<16xi32>
    %lt3A_564 = arith.constant 6 : i32
    %lt3A_565 = vector.broadcast %lt3A_564 : i32 to vector<16xi32>
    %lt3A_566 = arith.cmpi slt, %iota3A, %lt3A_565 : vector<16xi32>
    tpu.vector_store_idx %arg14[%add3A_563], %gather3A_560 masked %lt3A_566 : memref<52xf32, #tpu.memory_space<vmem>>[vector<16xi32>], vector<16xf32>, vector<16xi1>
    %broadcast_in_dim3A_567 = arith.constant 5 : i32
    %broadcast_in_dim3A_568 = vector.broadcast %broadcast_in_dim3A_567 : i32 to vector<16xi32>
    %min3A_569 = arith.constant 5 : i32
    %min3A_570 = vector.broadcast %min3A_569 : i32 to vector<16xi32>
    %min3A_571 = arith.minsi %iota3A, %min3A_570 : vector<16xi32>
    %gather3A_572 = tpu.vector_load_idx %arg10[%broadcast_in_dim3A_568, %min3A_571] : memref<6x6xf32, #tpu.memory_space<vmem>>[vector<16xi32>, vector<16xi32>], vector<16xf32>,
    %add3A_573 = arith.constant 30 : i32
    %add3A_574 = vector.broadcast %add3A_573 : i32 to vector<16xi32>
    %add3A_575 = arith.addi %add3A_574, %iota3A : vector<16xi32>
    %lt3A_576 = arith.constant 6 : i32
    %lt3A_577 = vector.broadcast %lt3A_576 : i32 to vector<16xi32>
    %lt3A_578 = arith.cmpi slt, %iota3A, %lt3A_577 : vector<16xi32>
    tpu.vector_store_idx %arg14[%add3A_575], %gather3A_572 masked %lt3A_578 : memref<52xf32, #tpu.memory_space<vmem>>[vector<16xi32>], vector<16xf32>, vector<16xi1>
    %scan3A = arith.constant 0 : i32
    %scan3A_579 = arith.constant 0 : i32
    %scan3A_580 = arith.constant 16 : i32
    %scan3A_581 = arith.addi %scan3A_579, %scan3A_580 : i32
    %scan3A_582 = arith.constant 1 : i32
    scf.for %scan3A_632 = %scan3A_579 to %scan3A_581 step %scan3A_582  : i32 {
      %mul3A_633 = arith.constant 2 : i32
      %mul3A_634 = arith.muli %scan3A_632, %mul3A_633 : i32
      %add3A_635 = arith.constant 0 : i32
      %add3A_636 = arith.addi %mul3A_634, %add3A_635 : i32
      %mul3A_637 = arith.constant 16 : i32
      %mul3A_638 = arith.muli %add3A_636, %mul3A_637 : i32
      %get3A_639 = arith.constant 0 : i32
      %get3A_640 = arith.index_cast %get3A_639 : i32 to index
      %get3A_641 = arith.index_cast %mul3A_638 : i32 to index
      %get3A_642 = tpu.vector_load %arg7[%get3A_640, %get3A_641] {strides = array<i32>} : memref<2x1024xf32, #tpu.memory_space<vmem>>, vector<16xf32>,
      %get3A_643 = arith.constant 1 : i32
      %get3A_644 = arith.index_cast %get3A_643 : i32 to index
      %get3A_645 = arith.index_cast %mul3A_638 : i32 to index
      %get3A_646 = tpu.vector_load %arg7[%get3A_644, %get3A_645] {strides = array<i32>} : memref<2x1024xf32, #tpu.memory_space<vmem>>, vector<16xf32>,
      %mul3A_647 = arith.constant 2.000000e+01 : f32
      %mul3A_648 = vector.broadcast %mul3A_647 : f32 to vector<16xf32>
      %mul3A_649 = arith.mulf %get3A_642, %mul3A_648 : vector<16xf32>
      %convert_element_type3A = arith.fptosi %mul3A_649 : vector<16xf32> to vector<16xi32>
      %mul3A_650 = arith.constant 2.000000e+01 : f32
      %mul3A_651 = vector.broadcast %mul3A_650 : f32 to vector<16xf32>
      %mul3A_652 = arith.mulf %get3A_646, %mul3A_651 : vector<16xf32>
      %convert_element_type3A_653 = arith.fptosi %mul3A_652 : vector<16xf32> to vector<16xi32>
      %mul3A_654 = arith.constant 21 : i32
      %mul3A_655 = vector.broadcast %mul3A_654 : i32 to vector<16xi32>
      %mul3A_656 = arith.muli %convert_element_type3A, %mul3A_655 : vector<16xi32>
      %add3A_657 = arith.addi %mul3A_656, %convert_element_type3A_653 : vector<16xi32>
      %gather3A_658 = tpu.vector_load_idx %arg12[%add3A_657] : memref<457xf32, #tpu.memory_space<vmem>>[vector<16xi32>], vector<16xf32>,
      %gather3A_659 = tpu.vector_load_idx %arg13[%add3A_657] : memref<457xf32, #tpu.memory_space<vmem>>[vector<16xi32>], vector<16xf32>,
      %shift_right_arithmetic3A = arith.constant 2 : i32
      %shift_right_arithmetic3A_660 = vector.broadcast %shift_right_arithmetic3A : i32 to vector<16xi32>
      %shift_right_arithmetic3A_661 = arith.shrsi %convert_element_type3A, %shift_right_arithmetic3A_660 : vector<16xi32>
      %shift_right_arithmetic3A_662 = arith.constant 2 : i32
      %shift_right_arithmetic3A_663 = vector.broadcast %shift_right_arithmetic3A_662 : i32 to vector<16xi32>
      %shift_right_arithmetic3A_664 = arith.shrsi %convert_element_type3A_653, %shift_right_arithmetic3A_663 : vector<16xi32>
      %mul3A_665 = arith.constant 6 : i32
      %mul3A_666 = vector.broadcast %mul3A_665 : i32 to vector<16xi32>
      %mul3A_667 = arith.muli %shift_right_arithmetic3A_661, %mul3A_666 : vector<16xi32>
      %add3A_668 = arith.addi %mul3A_667, %shift_right_arithmetic3A_664 : vector<16xi32>
      %gather3A_669 = tpu.vector_load_idx %arg14[%add3A_668] : memref<52xf32, #tpu.memory_space<vmem>>[vector<16xi32>], vector<16xf32>,
      %sub3A = arith.constant 6 : i32
      %sub3A_670 = vector.broadcast %sub3A : i32 to vector<16xi32>
      %sub3A_671 = arith.subi %add3A_668, %sub3A_670 : vector<16xi32>
      %max3A = arith.maxsi %sub3A_671, %shift_right_arithmetic3A_664 : vector<16xi32>
      %gather3A_672 = tpu.vector_load_idx %arg14[%max3A] : memref<52xf32, #tpu.memory_space<vmem>>[vector<16xi32>], vector<16xf32>,
      %add3A_673 = arith.constant 6 : i32
      %add3A_674 = vector.broadcast %add3A_673 : i32 to vector<16xi32>
      %add3A_675 = arith.addi %add3A_668, %add3A_674 : vector<16xi32>
      %add3A_676 = arith.constant 30 : i32
      %add3A_677 = vector.broadcast %add3A_676 : i32 to vector<16xi32>
      %add3A_678 = arith.addi %shift_right_arithmetic3A_664, %add3A_677 : vector<16xi32>
      %min3A_679 = arith.minsi %add3A_675, %add3A_678 : vector<16xi32>
      %gather3A_680 = tpu.vector_load_idx %arg14[%min3A_679] : memref<52xf32, #tpu.memory_space<vmem>>[vector<16xi32>], vector<16xf32>,
      %sub3A_681 = arith.constant 1 : i32
      %sub3A_682 = vector.broadcast %sub3A_681 : i32 to vector<16xi32>
      %sub3A_683 = arith.subi %add3A_668, %sub3A_682 : vector<16xi32>
      %mul3A_684 = arith.constant 6 : i32
      %mul3A_685 = vector.broadcast %mul3A_684 : i32 to vector<16xi32>
      %mul3A_686 = arith.muli %shift_right_arithmetic3A_661, %mul3A_685 : vector<16xi32>
      %max3A_687 = arith.maxsi %sub3A_683, %mul3A_686 : vector<16xi32>
      %gather3A_688 = tpu.vector_load_idx %arg14[%max3A_687] : memref<52xf32, #tpu.memory_space<vmem>>[vector<16xi32>], vector<16xf32>,
      %add3A_689 = arith.constant 1 : i32
      %add3A_690 = vector.broadcast %add3A_689 : i32 to vector<16xi32>
      %add3A_691 = arith.addi %add3A_668, %add3A_690 : vector<16xi32>
      %mul3A_692 = arith.constant 6 : i32
      %mul3A_693 = vector.broadcast %mul3A_692 : i32 to vector<16xi32>
      %mul3A_694 = arith.muli %shift_right_arithmetic3A_661, %mul3A_693 : vector<16xi32>
      %add3A_695 = arith.constant 5 : i32
      %add3A_696 = vector.broadcast %add3A_695 : i32 to vector<16xi32>
      %add3A_697 = arith.addi %mul3A_694, %add3A_696 : vector<16xi32>
      %min3A_698 = arith.minsi %add3A_691, %add3A_697 : vector<16xi32>
      %gather3A_699 = tpu.vector_load_idx %arg14[%min3A_698] : memref<52xf32, #tpu.memory_space<vmem>>[vector<16xi32>], vector<16xf32>,
      %and3A = arith.constant 3 : i32
      %and3A_700 = vector.broadcast %and3A : i32 to vector<16xi32>
      %and3A_701 = arith.andi %convert_element_type3A, %and3A_700 : vector<16xi32>
      %convert_element_type3A_702 = arith.sitofp %and3A_701 : vector<16xi32> to vector<16xf32>
      %and3A_703 = arith.constant 3 : i32
      %and3A_704 = vector.broadcast %and3A_703 : i32 to vector<16xi32>
      %and3A_705 = arith.andi %convert_element_type3A_653, %and3A_704 : vector<16xi32>
      %convert_element_type3A_706 = arith.sitofp %and3A_705 : vector<16xi32> to vector<16xf32>
      %ne3A = arith.constant 20 : i32
      %ne3A_707 = vector.broadcast %ne3A : i32 to vector<16xi32>
      %ne3A_708 = arith.cmpi ne, %convert_element_type3A, %ne3A_707 : vector<16xi32>
      %ne3A_709 = arith.constant 20 : i32
      %ne3A_710 = vector.broadcast %ne3A_709 : i32 to vector<16xi32>
      %ne3A_711 = arith.cmpi ne, %convert_element_type3A_653, %ne3A_710 : vector<16xi32>
      %div3A = arith.constant 2.000000e+01 : f32
      %div3A_712 = vector.broadcast %div3A : f32 to vector<16xf32>
      %div3A_713 = arith.divf %convert_element_type3A_702, %div3A_712 : vector<16xf32>
      %jit3A = arith.constant 2.000000e-01 : f32
      %broadcast_in_dim3A_714 = vector.broadcast %jit3A : f32 to vector<16xf32>
      %select_n3A = arith.select %ne3A_708, %div3A_713, %broadcast_in_dim3A_714 : vector<16xi1>, vector<16xf32>
      %sub3A_715 = arith.constant 4.000000e+00 : f32
      %sub3A_716 = vector.broadcast %sub3A_715 : f32 to vector<16xf32>
      %sub3A_717 = arith.subf %sub3A_716, %convert_element_type3A_702 : vector<16xf32>
      %div3A_718 = arith.constant 2.000000e+01 : f32
      %div3A_719 = vector.broadcast %div3A_718 : f32 to vector<16xf32>
      %div3A_720 = arith.divf %sub3A_717, %div3A_719 : vector<16xf32>
      %jit3A_721 = arith.constant 0.000000e+00 : f32
      %broadcast_in_dim3A_722 = vector.broadcast %jit3A_721 : f32 to vector<16xf32>
      %select_n3A_723 = arith.select %ne3A_708, %div3A_720, %broadcast_in_dim3A_722 : vector<16xi1>, vector<16xf32>
      %sub3A_724 = arith.constant 4.000000e+00 : f32
      %sub3A_725 = vector.broadcast %sub3A_724 : f32 to vector<16xf32>
      %sub3A_726 = arith.subf %sub3A_725, %convert_element_type3A_706 : vector<16xf32>
      %div3A_727 = arith.constant 2.000000e+01 : f32
      %div3A_728 = vector.broadcast %div3A_727 : f32 to vector<16xf32>
      %div3A_729 = arith.divf %sub3A_726, %div3A_728 : vector<16xf32>
      %jit3A_730 = arith.constant 0.000000e+00 : f32
      %broadcast_in_dim3A_731 = vector.broadcast %jit3A_730 : f32 to vector<16xf32>
      %select_n3A_732 = arith.select %ne3A_711, %div3A_729, %broadcast_in_dim3A_731 : vector<16xi1>, vector<16xf32>
      %div3A_733 = arith.constant 2.000000e+01 : f32
      %div3A_734 = vector.broadcast %div3A_733 : f32 to vector<16xf32>
      %div3A_735 = arith.divf %convert_element_type3A_706, %div3A_734 : vector<16xf32>
      %jit3A_736 = arith.constant 2.000000e-01 : f32
      %broadcast_in_dim3A_737 = vector.broadcast %jit3A_736 : f32 to vector<16xf32>
      %select_n3A_738 = arith.select %ne3A_711, %div3A_735, %broadcast_in_dim3A_737 : vector<16xi1>, vector<16xf32>
      %sub3A_739 = arith.constant 0.949999988 : f32
      %sub3A_740 = vector.broadcast %sub3A_739 : f32 to vector<16xf32>
      %sub3A_741 = arith.subf %sub3A_740, %get3A_642 : vector<16xf32>
      %sub3A_742 = arith.constant 0.949999988 : f32
      %sub3A_743 = vector.broadcast %sub3A_742 : f32 to vector<16xf32>
      %sub3A_744 = arith.subf %sub3A_743, %get3A_646 : vector<16xf32>
      %sub3A_745 = arith.constant 1.000000e+00 : f32
      %sub3A_746 = vector.broadcast %sub3A_745 : f32 to vector<16xf32>
      %sub3A_747 = arith.subf %sub3A_746, %get3A_642 : vector<16xf32>
      %sub3A_748 = arith.constant 1.000000e+00 : f32
      %sub3A_749 = vector.broadcast %sub3A_748 : f32 to vector<16xf32>
      %sub3A_750 = arith.subf %sub3A_749, %get3A_646 : vector<16xf32>
      %swap3A_751 = arith.constant 0 : i32
      %swap3A_752 = arith.index_cast %swap3A_751 : i32 to index
      %swap3A_753 = arith.index_cast %mul3A_638 : i32 to index
      %swap3A_754 = tpu.vector_load %arg11[%swap3A_752, %swap3A_753] {strides = array<i32>} : memref<19x1024xf32, #tpu.memory_space<vmem>>, vector<16xf32>,
      tpu.vector_store %arg11[%swap3A_752, %swap3A_753], %get3A_642 {strides = array<i32>} : memref<19x1024xf32, #tpu.memory_space<vmem>>, vector<16xf32>,
      %swap3A_755 = arith.constant 1 : i32
      %swap3A_756 = arith.index_cast %swap3A_755 : i32 to index
      %swap3A_757 = arith.index_cast %mul3A_638 : i32 to index
      %swap3A_758 = tpu.vector_load %arg11[%swap3A_756, %swap3A_757] {strides = array<i32>} : memref<19x1024xf32, #tpu.memory_space<vmem>>, vector<16xf32>,
      tpu.vector_store %arg11[%swap3A_756, %swap3A_757], %get3A_646 {strides = array<i32>} : memref<19x1024xf32, #tpu.memory_space<vmem>>, vector<16xf32>,
      %swap3A_759 = arith.constant 2 : i32
      %swap3A_760 = arith.index_cast %swap3A_759 : i32 to index
      %swap3A_761 = arith.index_cast %mul3A_638 : i32 to index
      %swap3A_762 = tpu.vector_load %arg11[%swap3A_760, %swap3A_761] {strides = array<i32>} : memref<19x1024xf32, #tpu.memory_space<vmem>>, vector<16xf32>,
      tpu.vector_store %arg11[%swap3A_760, %swap3A_761], %sub3A_741 {strides = array<i32>} : memref<19x1024xf32, #tpu.memory_space<vmem>>, vector<16xf32>,
      %swap3A_763 = arith.constant 3 : i32
      %swap3A_764 = arith.index_cast %swap3A_763 : i32 to index
      %swap3A_765 = arith.index_cast %mul3A_638 : i32 to index
      %swap3A_766 = tpu.vector_load %arg11[%swap3A_764, %swap3A_765] {strides = array<i32>} : memref<19x1024xf32, #tpu.memory_space<vmem>>, vector<16xf32>,
      tpu.vector_store %arg11[%swap3A_764, %swap3A_765], %sub3A_744 {strides = array<i32>} : memref<19x1024xf32, #tpu.memory_space<vmem>>, vector<16xf32>,
      %swap3A_767 = arith.constant 4 : i32
      %swap3A_768 = arith.index_cast %swap3A_767 : i32 to index
      %swap3A_769 = arith.index_cast %mul3A_638 : i32 to index
      %swap3A_770 = tpu.vector_load %arg11[%swap3A_768, %swap3A_769] {strides = array<i32>} : memref<19x1024xf32, #tpu.memory_space<vmem>>, vector<16xf32>,
      tpu.vector_store %arg11[%swap3A_768, %swap3A_769], %gather3A_658 {strides = array<i32>} : memref<19x1024xf32, #tpu.memory_space<vmem>>, vector<16xf32>,
      %swap3A_771 = arith.constant 5 : i32
      %swap3A_772 = arith.index_cast %swap3A_771 : i32 to index
      %swap3A_773 = arith.index_cast %mul3A_638 : i32 to index
      %swap3A_774 = tpu.vector_load %arg11[%swap3A_772, %swap3A_773] {strides = array<i32>} : memref<19x1024xf32, #tpu.memory_space<vmem>>, vector<16xf32>,
      tpu.vector_store %arg11[%swap3A_772, %swap3A_773], %gather3A_659 {strides = array<i32>} : memref<19x1024xf32, #tpu.memory_space<vmem>>, vector<16xf32>,
      %swap3A_775 = arith.constant 6 : i32
      %swap3A_776 = arith.index_cast %swap3A_775 : i32 to index
      %swap3A_777 = arith.index_cast %mul3A_638 : i32 to index
      %swap3A_778 = tpu.vector_load %arg11[%swap3A_776, %swap3A_777] {strides = array<i32>} : memref<19x1024xf32, #tpu.memory_space<vmem>>, vector<16xf32>,
      tpu.vector_store %arg11[%swap3A_776, %swap3A_777], %gather3A_669 {strides = array<i32>} : memref<19x1024xf32, #tpu.memory_space<vmem>>, vector<16xf32>,
      %swap3A_779 = arith.constant 7 : i32
      %swap3A_780 = arith.index_cast %swap3A_779 : i32 to index
      %swap3A_781 = arith.index_cast %mul3A_638 : i32 to index
      %swap3A_782 = tpu.vector_load %arg11[%swap3A_780, %swap3A_781] {strides = array<i32>} : memref<19x1024xf32, #tpu.memory_space<vmem>>, vector<16xf32>,
      tpu.vector_store %arg11[%swap3A_780, %swap3A_781], %get3A_642 {strides = array<i32>} : memref<19x1024xf32, #tpu.memory_space<vmem>>, vector<16xf32>,
      %swap3A_783 = arith.constant 8 : i32
      %swap3A_784 = arith.index_cast %swap3A_783 : i32 to index
      %swap3A_785 = arith.index_cast %mul3A_638 : i32 to index
      %swap3A_786 = tpu.vector_load %arg11[%swap3A_784, %swap3A_785] {strides = array<i32>} : memref<19x1024xf32, #tpu.memory_space<vmem>>, vector<16xf32>,
      tpu.vector_store %arg11[%swap3A_784, %swap3A_785], %sub3A_747 {strides = array<i32>} : memref<19x1024xf32, #tpu.memory_space<vmem>>, vector<16xf32>,
      %swap3A_787 = arith.constant 9 : i32
      %swap3A_788 = arith.index_cast %swap3A_787 : i32 to index
      %swap3A_789 = arith.index_cast %mul3A_638 : i32 to index
      %swap3A_790 = tpu.vector_load %arg11[%swap3A_788, %swap3A_789] {strides = array<i32>} : memref<19x1024xf32, #tpu.memory_space<vmem>>, vector<16xf32>,
      tpu.vector_store %arg11[%swap3A_788, %swap3A_789], %get3A_646 {strides = array<i32>} : memref<19x1024xf32, #tpu.memory_space<vmem>>, vector<16xf32>,
      %swap3A_791 = arith.constant 10 : i32
      %swap3A_792 = arith.index_cast %swap3A_791 : i32 to index
      %swap3A_793 = arith.index_cast %mul3A_638 : i32 to index
      %swap3A_794 = tpu.vector_load %arg11[%swap3A_792, %swap3A_793] {strides = array<i32>} : memref<19x1024xf32, #tpu.memory_space<vmem>>, vector<16xf32>,
      tpu.vector_store %arg11[%swap3A_792, %swap3A_793], %sub3A_750 {strides = array<i32>} : memref<19x1024xf32, #tpu.memory_space<vmem>>, vector<16xf32>,
      %swap3A_795 = arith.constant 11 : i32
      %swap3A_796 = arith.index_cast %swap3A_795 : i32 to index
      %swap3A_797 = arith.index_cast %mul3A_638 : i32 to index
      %swap3A_798 = tpu.vector_load %arg11[%swap3A_796, %swap3A_797] {strides = array<i32>} : memref<19x1024xf32, #tpu.memory_space<vmem>>, vector<16xf32>,
      tpu.vector_store %arg11[%swap3A_796, %swap3A_797], %gather3A_672 {strides = array<i32>} : memref<19x1024xf32, #tpu.memory_space<vmem>>, vector<16xf32>,
      %swap3A_799 = arith.constant 12 : i32
      %swap3A_800 = arith.index_cast %swap3A_799 : i32 to index
      %swap3A_801 = arith.index_cast %mul3A_638 : i32 to index
      %swap3A_802 = tpu.vector_load %arg11[%swap3A_800, %swap3A_801] {strides = array<i32>} : memref<19x1024xf32, #tpu.memory_space<vmem>>, vector<16xf32>,
      tpu.vector_store %arg11[%swap3A_800, %swap3A_801], %gather3A_680 {strides = array<i32>} : memref<19x1024xf32, #tpu.memory_space<vmem>>, vector<16xf32>,
      %swap3A_803 = arith.constant 13 : i32
      %swap3A_804 = arith.index_cast %swap3A_803 : i32 to index
      %swap3A_805 = arith.index_cast %mul3A_638 : i32 to index
      %swap3A_806 = tpu.vector_load %arg11[%swap3A_804, %swap3A_805] {strides = array<i32>} : memref<19x1024xf32, #tpu.memory_space<vmem>>, vector<16xf32>,
      tpu.vector_store %arg11[%swap3A_804, %swap3A_805], %gather3A_688 {strides = array<i32>} : memref<19x1024xf32, #tpu.memory_space<vmem>>, vector<16xf32>,
      %swap3A_807 = arith.constant 14 : i32
      %swap3A_808 = arith.index_cast %swap3A_807 : i32 to index
      %swap3A_809 = arith.index_cast %mul3A_638 : i32 to index
      %swap3A_810 = tpu.vector_load %arg11[%swap3A_808, %swap3A_809] {strides = array<i32>} : memref<19x1024xf32, #tpu.memory_space<vmem>>, vector<16xf32>,
      tpu.vector_store %arg11[%swap3A_808, %swap3A_809], %gather3A_699 {strides = array<i32>} : memref<19x1024xf32, #tpu.memory_space<vmem>>, vector<16xf32>,
      %swap3A_811 = arith.constant 15 : i32
      %swap3A_812 = arith.index_cast %swap3A_811 : i32 to index
      %swap3A_813 = arith.index_cast %mul3A_638 : i32 to index
      %swap3A_814 = tpu.vector_load %arg11[%swap3A_812, %swap3A_813] {strides = array<i32>} : memref<19x1024xf32, #tpu.memory_space<vmem>>, vector<16xf32>,
      tpu.vector_store %arg11[%swap3A_812, %swap3A_813], %select_n3A {strides = array<i32>} : memref<19x1024xf32, #tpu.memory_space<vmem>>, vector<16xf32>,
      %swap3A_815 = arith.constant 16 : i32
      %swap3A_816 = arith.index_cast %swap3A_815 : i32 to index
      %swap3A_817 = arith.index_cast %mul3A_638 : i32 to index
      %swap3A_818 = tpu.vector_load %arg11[%swap3A_816, %swap3A_817] {strides = array<i32>} : memref<19x1024xf32, #tpu.memory_space<vmem>>, vector<16xf32>,
      tpu.vector_store %arg11[%swap3A_816, %swap3A_817], %select_n3A_723 {strides = array<i32>} : memref<19x1024xf32, #tpu.memory_space<vmem>>, vector<16xf32>,
      %swap3A_819 = arith.constant 17 : i32
      %swap3A_820 = arith.index_cast %swap3A_819 : i32 to index
      %swap3A_821 = arith.index_cast %mul3A_638 : i32 to index
      %swap3A_822 = tpu.vector_load %arg11[%swap3A_820, %swap3A_821] {strides = array<i32>} : memref<19x1024xf32, #tpu.memory_space<vmem>>, vector<16xf32>,
      tpu.vector_store %arg11[%swap3A_820, %swap3A_821], %select_n3A_732 {strides = array<i32>} : memref<19x1024xf32, #tpu.memory_space<vmem>>, vector<16xf32>,
      %swap3A_823 = arith.constant 18 : i32
      %swap3A_824 = arith.index_cast %swap3A_823 : i32 to index
      %swap3A_825 = arith.index_cast %mul3A_638 : i32 to index
      %swap3A_826 = tpu.vector_load %arg11[%swap3A_824, %swap3A_825] {strides = array<i32>} : memref<19x1024xf32, #tpu.memory_space<vmem>>, vector<16xf32>,
      tpu.vector_store %arg11[%swap3A_824, %swap3A_825], %select_n3A_738 {strides = array<i32>} : memref<19x1024xf32, #tpu.memory_space<vmem>>, vector<16xf32>,
      %mul3A_827 = arith.constant 2 : i32
      %mul3A_828 = arith.muli %scan3A_632, %mul3A_827 : i32
      %add3A_829 = arith.constant 1 : i32
      %add3A_830 = arith.addi %mul3A_828, %add3A_829 : i32
      %mul3A_831 = arith.constant 16 : i32
      %mul3A_832 = arith.muli %add3A_830, %mul3A_831 : i32
      %get3A_833 = arith.constant 0 : i32
      %get3A_834 = arith.index_cast %get3A_833 : i32 to index
      %get3A_835 = arith.index_cast %mul3A_832 : i32 to index
      %get3A_836 = tpu.vector_load %arg7[%get3A_834, %get3A_835] {strides = array<i32>} : memref<2x1024xf32, #tpu.memory_space<vmem>>, vector<16xf32>,
      %get3A_837 = arith.constant 1 : i32
      %get3A_838 = arith.index_cast %get3A_837 : i32 to index
      %get3A_839 = arith.index_cast %mul3A_832 : i32 to index
      %get3A_840 = tpu.vector_load %arg7[%get3A_838, %get3A_839] {strides = array<i32>} : memref<2x1024xf32, #tpu.memory_space<vmem>>, vector<16xf32>,
      %mul3A_841 = arith.constant 2.000000e+01 : f32
      %mul3A_842 = vector.broadcast %mul3A_841 : f32 to vector<16xf32>
      %mul3A_843 = arith.mulf %get3A_836, %mul3A_842 : vector<16xf32>
      %convert_element_type3A_844 = arith.fptosi %mul3A_843 : vector<16xf32> to vector<16xi32>
      %mul3A_845 = arith.constant 2.000000e+01 : f32
      %mul3A_846 = vector.broadcast %mul3A_845 : f32 to vector<16xf32>
      %mul3A_847 = arith.mulf %get3A_840, %mul3A_846 : vector<16xf32>
      %convert_element_type3A_848 = arith.fptosi %mul3A_847 : vector<16xf32> to vector<16xi32>
      %mul3A_849 = arith.constant 21 : i32
      %mul3A_850 = vector.broadcast %mul3A_849 : i32 to vector<16xi32>
      %mul3A_851 = arith.muli %convert_element_type3A_844, %mul3A_850 : vector<16xi32>
      %add3A_852 = arith.addi %mul3A_851, %convert_element_type3A_848 : vector<16xi32>
      %gather3A_853 = tpu.vector_load_idx %arg12[%add3A_852] : memref<457xf32, #tpu.memory_space<vmem>>[vector<16xi32>], vector<16xf32>,
      %gather3A_854 = tpu.vector_load_idx %arg13[%add3A_852] : memref<457xf32, #tpu.memory_space<vmem>>[vector<16xi32>], vector<16xf32>,
      %shift_right_arithmetic3A_855 = arith.constant 2 : i32
      %shift_right_arithmetic3A_856 = vector.broadcast %shift_right_arithmetic3A_855 : i32 to vector<16xi32>
      %shift_right_arithmetic3A_857 = arith.shrsi %convert_element_type3A_844, %shift_right_arithmetic3A_856 : vector<16xi32>
      %shift_right_arithmetic3A_858 = arith.constant 2 : i32
      %shift_right_arithmetic3A_859 = vector.broadcast %shift_right_arithmetic3A_858 : i32 to vector<16xi32>
      %shift_right_arithmetic3A_860 = arith.shrsi %convert_element_type3A_848, %shift_right_arithmetic3A_859 : vector<16xi32>
      %mul3A_861 = arith.constant 6 : i32
      %mul3A_862 = vector.broadcast %mul3A_861 : i32 to vector<16xi32>
      %mul3A_863 = arith.muli %shift_right_arithmetic3A_857, %mul3A_862 : vector<16xi32>
      %add3A_864 = arith.addi %mul3A_863, %shift_right_arithmetic3A_860 : vector<16xi32>
      %gather3A_865 = tpu.vector_load_idx %arg14[%add3A_864] : memref<52xf32, #tpu.memory_space<vmem>>[vector<16xi32>], vector<16xf32>,
      %sub3A_866 = arith.constant 6 : i32
      %sub3A_867 = vector.broadcast %sub3A_866 : i32 to vector<16xi32>
      %sub3A_868 = arith.subi %add3A_864, %sub3A_867 : vector<16xi32>
      %max3A_869 = arith.maxsi %sub3A_868, %shift_right_arithmetic3A_860 : vector<16xi32>
      %gather3A_870 = tpu.vector_load_idx %arg14[%max3A_869] : memref<52xf32, #tpu.memory_space<vmem>>[vector<16xi32>], vector<16xf32>,
      %add3A_871 = arith.constant 6 : i32
      %add3A_872 = vector.broadcast %add3A_871 : i32 to vector<16xi32>
      %add3A_873 = arith.addi %add3A_864, %add3A_872 : vector<16xi32>
      %add3A_874 = arith.constant 30 : i32
      %add3A_875 = vector.broadcast %add3A_874 : i32 to vector<16xi32>
      %add3A_876 = arith.addi %shift_right_arithmetic3A_860, %add3A_875 : vector<16xi32>
      %min3A_877 = arith.minsi %add3A_873, %add3A_876 : vector<16xi32>
      %gather3A_878 = tpu.vector_load_idx %arg14[%min3A_877] : memref<52xf32, #tpu.memory_space<vmem>>[vector<16xi32>], vector<16xf32>,
      %sub3A_879 = arith.constant 1 : i32
      %sub3A_880 = vector.broadcast %sub3A_879 : i32 to vector<16xi32>
      %sub3A_881 = arith.subi %add3A_864, %sub3A_880 : vector<16xi32>
      %mul3A_882 = arith.constant 6 : i32
      %mul3A_883 = vector.broadcast %mul3A_882 : i32 to vector<16xi32>
      %mul3A_884 = arith.muli %shift_right_arithmetic3A_857, %mul3A_883 : vector<16xi32>
      %max3A_885 = arith.maxsi %sub3A_881, %mul3A_884 : vector<16xi32>
      %gather3A_886 = tpu.vector_load_idx %arg14[%max3A_885] : memref<52xf32, #tpu.memory_space<vmem>>[vector<16xi32>], vector<16xf32>,
      %add3A_887 = arith.constant 1 : i32
      %add3A_888 = vector.broadcast %add3A_887 : i32 to vector<16xi32>
      %add3A_889 = arith.addi %add3A_864, %add3A_888 : vector<16xi32>
      %mul3A_890 = arith.constant 6 : i32
      %mul3A_891 = vector.broadcast %mul3A_890 : i32 to vector<16xi32>
      %mul3A_892 = arith.muli %shift_right_arithmetic3A_857, %mul3A_891 : vector<16xi32>
      %add3A_893 = arith.constant 5 : i32
      %add3A_894 = vector.broadcast %add3A_893 : i32 to vector<16xi32>
      %add3A_895 = arith.addi %mul3A_892, %add3A_894 : vector<16xi32>
      %min3A_896 = arith.minsi %add3A_889, %add3A_895 : vector<16xi32>
      %gather3A_897 = tpu.vector_load_idx %arg14[%min3A_896] : memref<52xf32, #tpu.memory_space<vmem>>[vector<16xi32>], vector<16xf32>,
      %and3A_898 = arith.constant 3 : i32
      %and3A_899 = vector.broadcast %and3A_898 : i32 to vector<16xi32>
      %and3A_900 = arith.andi %convert_element_type3A_844, %and3A_899 : vector<16xi32>
      %convert_element_type3A_901 = arith.sitofp %and3A_900 : vector<16xi32> to vector<16xf32>
      %and3A_902 = arith.constant 3 : i32
      %and3A_903 = vector.broadcast %and3A_902 : i32 to vector<16xi32>
      %and3A_904 = arith.andi %convert_element_type3A_848, %and3A_903 : vector<16xi32>
      %convert_element_type3A_905 = arith.sitofp %and3A_904 : vector<16xi32> to vector<16xf32>
      %ne3A_906 = arith.constant 20 : i32
      %ne3A_907 = vector.broadcast %ne3A_906 : i32 to vector<16xi32>
      %ne3A_908 = arith.cmpi ne, %convert_element_type3A_844, %ne3A_907 : vector<16xi32>
      %ne3A_909 = arith.constant 20 : i32
      %ne3A_910 = vector.broadcast %ne3A_909 : i32 to vector<16xi32>
      %ne3A_911 = arith.cmpi ne, %convert_element_type3A_848, %ne3A_910 : vector<16xi32>
      %div3A_912 = arith.constant 2.000000e+01 : f32
      %div3A_913 = vector.broadcast %div3A_912 : f32 to vector<16xf32>
      %div3A_914 = arith.divf %convert_element_type3A_901, %div3A_913 : vector<16xf32>
      %jit3A_915 = arith.constant 2.000000e-01 : f32
      %broadcast_in_dim3A_916 = vector.broadcast %jit3A_915 : f32 to vector<16xf32>
      %select_n3A_917 = arith.select %ne3A_908, %div3A_914, %broadcast_in_dim3A_916 : vector<16xi1>, vector<16xf32>
      %sub3A_918 = arith.constant 4.000000e+00 : f32
      %sub3A_919 = vector.broadcast %sub3A_918 : f32 to vector<16xf32>
      %sub3A_920 = arith.subf %sub3A_919, %convert_element_type3A_901 : vector<16xf32>
      %div3A_921 = arith.constant 2.000000e+01 : f32
      %div3A_922 = vector.broadcast %div3A_921 : f32 to vector<16xf32>
      %div3A_923 = arith.divf %sub3A_920, %div3A_922 : vector<16xf32>
      %jit3A_924 = arith.constant 0.000000e+00 : f32
      %broadcast_in_dim3A_925 = vector.broadcast %jit3A_924 : f32 to vector<16xf32>
      %select_n3A_926 = arith.select %ne3A_908, %div3A_923, %broadcast_in_dim3A_925 : vector<16xi1>, vector<16xf32>
      %sub3A_927 = arith.constant 4.000000e+00 : f32
      %sub3A_928 = vector.broadcast %sub3A_927 : f32 to vector<16xf32>
      %sub3A_929 = arith.subf %sub3A_928, %convert_element_type3A_905 : vector<16xf32>
      %div3A_930 = arith.constant 2.000000e+01 : f32
      %div3A_931 = vector.broadcast %div3A_930 : f32 to vector<16xf32>
      %div3A_932 = arith.divf %sub3A_929, %div3A_931 : vector<16xf32>
      %jit3A_933 = arith.constant 0.000000e+00 : f32
      %broadcast_in_dim3A_934 = vector.broadcast %jit3A_933 : f32 to vector<16xf32>
      %select_n3A_935 = arith.select %ne3A_911, %div3A_932, %broadcast_in_dim3A_934 : vector<16xi1>, vector<16xf32>
      %div3A_936 = arith.constant 2.000000e+01 : f32
      %div3A_937 = vector.broadcast %div3A_936 : f32 to vector<16xf32>
      %div3A_938 = arith.divf %convert_element_type3A_905, %div3A_937 : vector<16xf32>
      %jit3A_939 = arith.constant 2.000000e-01 : f32
      %broadcast_in_dim3A_940 = vector.broadcast %jit3A_939 : f32 to vector<16xf32>
      %select_n3A_941 = arith.select %ne3A_911, %div3A_938, %broadcast_in_dim3A_940 : vector<16xi1>, vector<16xf32>
      %sub3A_942 = arith.constant 0.949999988 : f32
      %sub3A_943 = vector.broadcast %sub3A_942 : f32 to vector<16xf32>
      %sub3A_944 = arith.subf %sub3A_943, %get3A_836 : vector<16xf32>
      %sub3A_945 = arith.constant 0.949999988 : f32
      %sub3A_946 = vector.broadcast %sub3A_945 : f32 to vector<16xf32>
      %sub3A_947 = arith.subf %sub3A_946, %get3A_840 : vector<16xf32>
      %sub3A_948 = arith.constant 1.000000e+00 : f32
      %sub3A_949 = vector.broadcast %sub3A_948 : f32 to vector<16xf32>
      %sub3A_950 = arith.subf %sub3A_949, %get3A_836 : vector<16xf32>
      %sub3A_951 = arith.constant 1.000000e+00 : f32
      %sub3A_952 = vector.broadcast %sub3A_951 : f32 to vector<16xf32>
      %sub3A_953 = arith.subf %sub3A_952, %get3A_840 : vector<16xf32>
      %swap3A_954 = arith.constant 0 : i32
      %swap3A_955 = arith.index_cast %swap3A_954 : i32 to index
      %swap3A_956 = arith.index_cast %mul3A_832 : i32 to index
      %swap3A_957 = tpu.vector_load %arg11[%swap3A_955, %swap3A_956] {strides = array<i32>} : memref<19x1024xf32, #tpu.memory_space<vmem>>, vector<16xf32>,
      tpu.vector_store %arg11[%swap3A_955, %swap3A_956], %get3A_836 {strides = array<i32>} : memref<19x1024xf32, #tpu.memory_space<vmem>>, vector<16xf32>,
      %swap3A_958 = arith.constant 1 : i32
      %swap3A_959 = arith.index_cast %swap3A_958 : i32 to index
      %swap3A_960 = arith.index_cast %mul3A_832 : i32 to index
      %swap3A_961 = tpu.vector_load %arg11[%swap3A_959, %swap3A_960] {strides = array<i32>} : memref<19x1024xf32, #tpu.memory_space<vmem>>, vector<16xf32>,
      tpu.vector_store %arg11[%swap3A_959, %swap3A_960], %get3A_840 {strides = array<i32>} : memref<19x1024xf32, #tpu.memory_space<vmem>>, vector<16xf32>,
      %swap3A_962 = arith.constant 2 : i32
      %swap3A_963 = arith.index_cast %swap3A_962 : i32 to index
      %swap3A_964 = arith.index_cast %mul3A_832 : i32 to index
      %swap3A_965 = tpu.vector_load %arg11[%swap3A_963, %swap3A_964] {strides = array<i32>} : memref<19x1024xf32, #tpu.memory_space<vmem>>, vector<16xf32>,
      tpu.vector_store %arg11[%swap3A_963, %swap3A_964], %sub3A_944 {strides = array<i32>} : memref<19x1024xf32, #tpu.memory_space<vmem>>, vector<16xf32>,
      %swap3A_966 = arith.constant 3 : i32
      %swap3A_967 = arith.index_cast %swap3A_966 : i32 to index
      %swap3A_968 = arith.index_cast %mul3A_832 : i32 to index
      %swap3A_969 = tpu.vector_load %arg11[%swap3A_967, %swap3A_968] {strides = array<i32>} : memref<19x1024xf32, #tpu.memory_space<vmem>>, vector<16xf32>,
      tpu.vector_store %arg11[%swap3A_967, %swap3A_968], %sub3A_947 {strides = array<i32>} : memref<19x1024xf32, #tpu.memory_space<vmem>>, vector<16xf32>,
      %swap3A_970 = arith.constant 4 : i32
      %swap3A_971 = arith.index_cast %swap3A_970 : i32 to index
      %swap3A_972 = arith.index_cast %mul3A_832 : i32 to index
      %swap3A_973 = tpu.vector_load %arg11[%swap3A_971, %swap3A_972] {strides = array<i32>} : memref<19x1024xf32, #tpu.memory_space<vmem>>, vector<16xf32>,
      tpu.vector_store %arg11[%swap3A_971, %swap3A_972], %gather3A_853 {strides = array<i32>} : memref<19x1024xf32, #tpu.memory_space<vmem>>, vector<16xf32>,
      %swap3A_974 = arith.constant 5 : i32
      %swap3A_975 = arith.index_cast %swap3A_974 : i32 to index
      %swap3A_976 = arith.index_cast %mul3A_832 : i32 to index
      %swap3A_977 = tpu.vector_load %arg11[%swap3A_975, %swap3A_976] {strides = array<i32>} : memref<19x1024xf32, #tpu.memory_space<vmem>>, vector<16xf32>,
      tpu.vector_store %arg11[%swap3A_975, %swap3A_976], %gather3A_854 {strides = array<i32>} : memref<19x1024xf32, #tpu.memory_space<vmem>>, vector<16xf32>,
      %swap3A_978 = arith.constant 6 : i32
      %swap3A_979 = arith.index_cast %swap3A_978 : i32 to index
      %swap3A_980 = arith.index_cast %mul3A_832 : i32 to index
      %swap3A_981 = tpu.vector_load %arg11[%swap3A_979, %swap3A_980] {strides = array<i32>} : memref<19x1024xf32, #tpu.memory_space<vmem>>, vector<16xf32>,
      tpu.vector_store %arg11[%swap3A_979, %swap3A_980], %gather3A_865 {strides = array<i32>} : memref<19x1024xf32, #tpu.memory_space<vmem>>, vector<16xf32>,
      %swap3A_982 = arith.constant 7 : i32
      %swap3A_983 = arith.index_cast %swap3A_982 : i32 to index
      %swap3A_984 = arith.index_cast %mul3A_832 : i32 to index
      %swap3A_985 = tpu.vector_load %arg11[%swap3A_983, %swap3A_984] {strides = array<i32>} : memref<19x1024xf32, #tpu.memory_space<vmem>>, vector<16xf32>,
      tpu.vector_store %arg11[%swap3A_983, %swap3A_984], %get3A_836 {strides = array<i32>} : memref<19x1024xf32, #tpu.memory_space<vmem>>, vector<16xf32>,
      %swap3A_986 = arith.constant 8 : i32
      %swap3A_987 = arith.index_cast %swap3A_986 : i32 to index
      %swap3A_988 = arith.index_cast %mul3A_832 : i32 to index
      %swap3A_989 = tpu.vector_load %arg11[%swap3A_987, %swap3A_988] {strides = array<i32>} : memref<19x1024xf32, #tpu.memory_space<vmem>>, vector<16xf32>,
      tpu.vector_store %arg11[%swap3A_987, %swap3A_988], %sub3A_950 {strides = array<i32>} : memref<19x1024xf32, #tpu.memory_space<vmem>>, vector<16xf32>,
      %swap3A_990 = arith.constant 9 : i32
      %swap3A_991 = arith.index_cast %swap3A_990 : i32 to index
      %swap3A_992 = arith.index_cast %mul3A_832 : i32 to index
      %swap3A_993 = tpu.vector_load %arg11[%swap3A_991, %swap3A_992] {strides = array<i32>} : memref<19x1024xf32, #tpu.memory_space<vmem>>, vector<16xf32>,
      tpu.vector_store %arg11[%swap3A_991, %swap3A_992], %get3A_840 {strides = array<i32>} : memref<19x1024xf32, #tpu.memory_space<vmem>>, vector<16xf32>,
      %swap3A_994 = arith.constant 10 : i32
      %swap3A_995 = arith.index_cast %swap3A_994 : i32 to index
      %swap3A_996 = arith.index_cast %mul3A_832 : i32 to index
      %swap3A_997 = tpu.vector_load %arg11[%swap3A_995, %swap3A_996] {strides = array<i32>} : memref<19x1024xf32, #tpu.memory_space<vmem>>, vector<16xf32>,
      tpu.vector_store %arg11[%swap3A_995, %swap3A_996], %sub3A_953 {strides = array<i32>} : memref<19x1024xf32, #tpu.memory_space<vmem>>, vector<16xf32>,
      %swap3A_998 = arith.constant 11 : i32
      %swap3A_999 = arith.index_cast %swap3A_998 : i32 to index
      %swap3A_1000 = arith.index_cast %mul3A_832 : i32 to index
      %swap3A_1001 = tpu.vector_load %arg11[%swap3A_999, %swap3A_1000] {strides = array<i32>} : memref<19x1024xf32, #tpu.memory_space<vmem>>, vector<16xf32>,
      tpu.vector_store %arg11[%swap3A_999, %swap3A_1000], %gather3A_870 {strides = array<i32>} : memref<19x1024xf32, #tpu.memory_space<vmem>>, vector<16xf32>,
      %swap3A_1002 = arith.constant 12 : i32
      %swap3A_1003 = arith.index_cast %swap3A_1002 : i32 to index
      %swap3A_1004 = arith.index_cast %mul3A_832 : i32 to index
      %swap3A_1005 = tpu.vector_load %arg11[%swap3A_1003, %swap3A_1004] {strides = array<i32>} : memref<19x1024xf32, #tpu.memory_space<vmem>>, vector<16xf32>,
      tpu.vector_store %arg11[%swap3A_1003, %swap3A_1004], %gather3A_878 {strides = array<i32>} : memref<19x1024xf32, #tpu.memory_space<vmem>>, vector<16xf32>,
      %swap3A_1006 = arith.constant 13 : i32
      %swap3A_1007 = arith.index_cast %swap3A_1006 : i32 to index
      %swap3A_1008 = arith.index_cast %mul3A_832 : i32 to index
      %swap3A_1009 = tpu.vector_load %arg11[%swap3A_1007, %swap3A_1008] {strides = array<i32>} : memref<19x1024xf32, #tpu.memory_space<vmem>>, vector<16xf32>,
      tpu.vector_store %arg11[%swap3A_1007, %swap3A_1008], %gather3A_886 {strides = array<i32>} : memref<19x1024xf32, #tpu.memory_space<vmem>>, vector<16xf32>,
      %swap3A_1010 = arith.constant 14 : i32
      %swap3A_1011 = arith.index_cast %swap3A_1010 : i32 to index
      %swap3A_1012 = arith.index_cast %mul3A_832 : i32 to index
      %swap3A_1013 = tpu.vector_load %arg11[%swap3A_1011, %swap3A_1012] {strides = array<i32>} : memref<19x1024xf32, #tpu.memory_space<vmem>>, vector<16xf32>,
      tpu.vector_store %arg11[%swap3A_1011, %swap3A_1012], %gather3A_897 {strides = array<i32>} : memref<19x1024xf32, #tpu.memory_space<vmem>>, vector<16xf32>,
      %swap3A_1014 = arith.constant 15 : i32
      %swap3A_1015 = arith.index_cast %swap3A_1014 : i32 to index
      %swap3A_1016 = arith.index_cast %mul3A_832 : i32 to index
      %swap3A_1017 = tpu.vector_load %arg11[%swap3A_1015, %swap3A_1016] {strides = array<i32>} : memref<19x1024xf32, #tpu.memory_space<vmem>>, vector<16xf32>,
      tpu.vector_store %arg11[%swap3A_1015, %swap3A_1016], %select_n3A_917 {strides = array<i32>} : memref<19x1024xf32, #tpu.memory_space<vmem>>, vector<16xf32>,
      %swap3A_1018 = arith.constant 16 : i32
      %swap3A_1019 = arith.index_cast %swap3A_1018 : i32 to index
      %swap3A_1020 = arith.index_cast %mul3A_832 : i32 to index
      %swap3A_1021 = tpu.vector_load %arg11[%swap3A_1019, %swap3A_1020] {strides = array<i32>} : memref<19x1024xf32, #tpu.memory_space<vmem>>, vector<16xf32>,
      tpu.vector_store %arg11[%swap3A_1019, %swap3A_1020], %select_n3A_926 {strides = array<i32>} : memref<19x1024xf32, #tpu.memory_space<vmem>>, vector<16xf32>,
      %swap3A_1022 = arith.constant 17 : i32
      %swap3A_1023 = arith.index_cast %swap3A_1022 : i32 to index
      %swap3A_1024 = arith.index_cast %mul3A_832 : i32 to index
      %swap3A_1025 = tpu.vector_load %arg11[%swap3A_1023, %swap3A_1024] {strides = array<i32>} : memref<19x1024xf32, #tpu.memory_space<vmem>>, vector<16xf32>,
      tpu.vector_store %arg11[%swap3A_1023, %swap3A_1024], %select_n3A_935 {strides = array<i32>} : memref<19x1024xf32, #tpu.memory_space<vmem>>, vector<16xf32>,
      %swap3A_1026 = arith.constant 18 : i32
      %swap3A_1027 = arith.index_cast %swap3A_1026 : i32 to index
      %swap3A_1028 = arith.index_cast %mul3A_832 : i32 to index
      %swap3A_1029 = tpu.vector_load %arg11[%swap3A_1027, %swap3A_1028] {strides = array<i32>} : memref<19x1024xf32, #tpu.memory_space<vmem>>, vector<16xf32>,
      tpu.vector_store %arg11[%swap3A_1027, %swap3A_1028], %select_n3A_941 {strides = array<i32>} : memref<19x1024xf32, #tpu.memory_space<vmem>>, vector<16xf32>,
    }
    %scan3A_583 = arith.constant 16 : i32
    %dma_start3A_584 = arith.constant 0 : i32
    %dma_start3A_585 = arith.constant 0 : i32
    %dma_start3A_586 = tpu.memref_slice %arg11[%dma_start3A_584, %dma_start3A_585] : memref<19x1024xf32, #tpu.memory_space<vmem>> -> memref<19x512xf32, #tpu.memory_space<vmem>>
    %dma_start3A_587 = arith.constant 0 : i32
    %dma_start3A_588 = tpu.memref_slice %arg6[%dma_start3A_587, %mul3A_2] : memref<19x16384xf32, #tpu.memory_space<hbm>> -> memref<19x512xf32, #tpu.memory_space<hbm>>
    %dma_start3A_589 = arith.constant 0 : i32
    %dma_start3A_590 = tpu.memref_slice %arg6[%dma_start3A_589, %mul3A_2] : memref<19x16384xf32, #tpu.memory_space<hbm>> -> memref<19x512xf32, #tpu.memory_space<hbm>>
    %dma_start3A_591 = arith.constant 0 : i32
    %dma_start3A_592 = arith.constant 0 : i32
    %dma_start3A_593 = tpu.memref_slice %arg11[%dma_start3A_591, %dma_start3A_592] : memref<19x1024xf32, #tpu.memory_space<vmem>> -> memref<19x512xf32, #tpu.memory_space<vmem>>
    tpu.enqueue_dma source(%dma_start3A_593 : memref<19x512xf32, #tpu.memory_space<vmem>>) target(%dma_start3A_590 : memref<19x512xf32, #tpu.memory_space<hbm>>) target_semaphore(%arg15 : memref<!tpu.dma_semaphore, #tpu.memory_space<semaphore_mem>>)
    %scan3A_594 = arith.constant 0 : i32
    %scan3A_595 = arith.constant 16 : i32
    %scan3A_596 = arith.constant 16 : i32
    %scan3A_597 = arith.addi %scan3A_595, %scan3A_596 : i32
    %scan3A_598 = arith.constant 1 : i32
    scf.for %scan3A_632 = %scan3A_595 to %scan3A_597 step %scan3A_598  : i32 {
      %mul3A_633 = arith.constant 2 : i32
      %mul3A_634 = arith.muli %scan3A_632, %mul3A_633 : i32
      %add3A_635 = arith.constant 0 : i32
      %add3A_636 = arith.addi %mul3A_634, %add3A_635 : i32
      %mul3A_637 = arith.constant 16 : i32
      %mul3A_638 = arith.muli %add3A_636, %mul3A_637 : i32
      %get3A_639 = arith.constant 0 : i32
      %get3A_640 = arith.index_cast %get3A_639 : i32 to index
      %get3A_641 = arith.index_cast %mul3A_638 : i32 to index
      %get3A_642 = tpu.vector_load %arg7[%get3A_640, %get3A_641] {strides = array<i32>} : memref<2x1024xf32, #tpu.memory_space<vmem>>, vector<16xf32>,
      %get3A_643 = arith.constant 1 : i32
      %get3A_644 = arith.index_cast %get3A_643 : i32 to index
      %get3A_645 = arith.index_cast %mul3A_638 : i32 to index
      %get3A_646 = tpu.vector_load %arg7[%get3A_644, %get3A_645] {strides = array<i32>} : memref<2x1024xf32, #tpu.memory_space<vmem>>, vector<16xf32>,
      %mul3A_647 = arith.constant 2.000000e+01 : f32
      %mul3A_648 = vector.broadcast %mul3A_647 : f32 to vector<16xf32>
      %mul3A_649 = arith.mulf %get3A_642, %mul3A_648 : vector<16xf32>
      %convert_element_type3A = arith.fptosi %mul3A_649 : vector<16xf32> to vector<16xi32>
      %mul3A_650 = arith.constant 2.000000e+01 : f32
      %mul3A_651 = vector.broadcast %mul3A_650 : f32 to vector<16xf32>
      %mul3A_652 = arith.mulf %get3A_646, %mul3A_651 : vector<16xf32>
      %convert_element_type3A_653 = arith.fptosi %mul3A_652 : vector<16xf32> to vector<16xi32>
      %mul3A_654 = arith.constant 21 : i32
      %mul3A_655 = vector.broadcast %mul3A_654 : i32 to vector<16xi32>
      %mul3A_656 = arith.muli %convert_element_type3A, %mul3A_655 : vector<16xi32>
      %add3A_657 = arith.addi %mul3A_656, %convert_element_type3A_653 : vector<16xi32>
      %gather3A_658 = tpu.vector_load_idx %arg12[%add3A_657] : memref<457xf32, #tpu.memory_space<vmem>>[vector<16xi32>], vector<16xf32>,
      %gather3A_659 = tpu.vector_load_idx %arg13[%add3A_657] : memref<457xf32, #tpu.memory_space<vmem>>[vector<16xi32>], vector<16xf32>,
      %shift_right_arithmetic3A = arith.constant 2 : i32
      %shift_right_arithmetic3A_660 = vector.broadcast %shift_right_arithmetic3A : i32 to vector<16xi32>
      %shift_right_arithmetic3A_661 = arith.shrsi %convert_element_type3A, %shift_right_arithmetic3A_660 : vector<16xi32>
      %shift_right_arithmetic3A_662 = arith.constant 2 : i32
      %shift_right_arithmetic3A_663 = vector.broadcast %shift_right_arithmetic3A_662 : i32 to vector<16xi32>
      %shift_right_arithmetic3A_664 = arith.shrsi %convert_element_type3A_653, %shift_right_arithmetic3A_663 : vector<16xi32>
      %mul3A_665 = arith.constant 6 : i32
      %mul3A_666 = vector.broadcast %mul3A_665 : i32 to vector<16xi32>
      %mul3A_667 = arith.muli %shift_right_arithmetic3A_661, %mul3A_666 : vector<16xi32>
      %add3A_668 = arith.addi %mul3A_667, %shift_right_arithmetic3A_664 : vector<16xi32>
      %gather3A_669 = tpu.vector_load_idx %arg14[%add3A_668] : memref<52xf32, #tpu.memory_space<vmem>>[vector<16xi32>], vector<16xf32>,
      %sub3A = arith.constant 6 : i32
      %sub3A_670 = vector.broadcast %sub3A : i32 to vector<16xi32>
      %sub3A_671 = arith.subi %add3A_668, %sub3A_670 : vector<16xi32>
      %max3A = arith.maxsi %sub3A_671, %shift_right_arithmetic3A_664 : vector<16xi32>
      %gather3A_672 = tpu.vector_load_idx %arg14[%max3A] : memref<52xf32, #tpu.memory_space<vmem>>[vector<16xi32>], vector<16xf32>,
      %add3A_673 = arith.constant 6 : i32
      %add3A_674 = vector.broadcast %add3A_673 : i32 to vector<16xi32>
      %add3A_675 = arith.addi %add3A_668, %add3A_674 : vector<16xi32>
      %add3A_676 = arith.constant 30 : i32
      %add3A_677 = vector.broadcast %add3A_676 : i32 to vector<16xi32>
      %add3A_678 = arith.addi %shift_right_arithmetic3A_664, %add3A_677 : vector<16xi32>
      %min3A_679 = arith.minsi %add3A_675, %add3A_678 : vector<16xi32>
      %gather3A_680 = tpu.vector_load_idx %arg14[%min3A_679] : memref<52xf32, #tpu.memory_space<vmem>>[vector<16xi32>], vector<16xf32>,
      %sub3A_681 = arith.constant 1 : i32
      %sub3A_682 = vector.broadcast %sub3A_681 : i32 to vector<16xi32>
      %sub3A_683 = arith.subi %add3A_668, %sub3A_682 : vector<16xi32>
      %mul3A_684 = arith.constant 6 : i32
      %mul3A_685 = vector.broadcast %mul3A_684 : i32 to vector<16xi32>
      %mul3A_686 = arith.muli %shift_right_arithmetic3A_661, %mul3A_685 : vector<16xi32>
      %max3A_687 = arith.maxsi %sub3A_683, %mul3A_686 : vector<16xi32>
      %gather3A_688 = tpu.vector_load_idx %arg14[%max3A_687] : memref<52xf32, #tpu.memory_space<vmem>>[vector<16xi32>], vector<16xf32>,
      %add3A_689 = arith.constant 1 : i32
      %add3A_690 = vector.broadcast %add3A_689 : i32 to vector<16xi32>
      %add3A_691 = arith.addi %add3A_668, %add3A_690 : vector<16xi32>
      %mul3A_692 = arith.constant 6 : i32
      %mul3A_693 = vector.broadcast %mul3A_692 : i32 to vector<16xi32>
      %mul3A_694 = arith.muli %shift_right_arithmetic3A_661, %mul3A_693 : vector<16xi32>
      %add3A_695 = arith.constant 5 : i32
      %add3A_696 = vector.broadcast %add3A_695 : i32 to vector<16xi32>
      %add3A_697 = arith.addi %mul3A_694, %add3A_696 : vector<16xi32>
      %min3A_698 = arith.minsi %add3A_691, %add3A_697 : vector<16xi32>
      %gather3A_699 = tpu.vector_load_idx %arg14[%min3A_698] : memref<52xf32, #tpu.memory_space<vmem>>[vector<16xi32>], vector<16xf32>,
      %and3A = arith.constant 3 : i32
      %and3A_700 = vector.broadcast %and3A : i32 to vector<16xi32>
      %and3A_701 = arith.andi %convert_element_type3A, %and3A_700 : vector<16xi32>
      %convert_element_type3A_702 = arith.sitofp %and3A_701 : vector<16xi32> to vector<16xf32>
      %and3A_703 = arith.constant 3 : i32
      %and3A_704 = vector.broadcast %and3A_703 : i32 to vector<16xi32>
      %and3A_705 = arith.andi %convert_element_type3A_653, %and3A_704 : vector<16xi32>
      %convert_element_type3A_706 = arith.sitofp %and3A_705 : vector<16xi32> to vector<16xf32>
      %ne3A = arith.constant 20 : i32
      %ne3A_707 = vector.broadcast %ne3A : i32 to vector<16xi32>
      %ne3A_708 = arith.cmpi ne, %convert_element_type3A, %ne3A_707 : vector<16xi32>
      %ne3A_709 = arith.constant 20 : i32
      %ne3A_710 = vector.broadcast %ne3A_709 : i32 to vector<16xi32>
      %ne3A_711 = arith.cmpi ne, %convert_element_type3A_653, %ne3A_710 : vector<16xi32>
      %div3A = arith.constant 2.000000e+01 : f32
      %div3A_712 = vector.broadcast %div3A : f32 to vector<16xf32>
      %div3A_713 = arith.divf %convert_element_type3A_702, %div3A_712 : vector<16xf32>
      %jit3A = arith.constant 2.000000e-01 : f32
      %broadcast_in_dim3A_714 = vector.broadcast %jit3A : f32 to vector<16xf32>
      %select_n3A = arith.select %ne3A_708, %div3A_713, %broadcast_in_dim3A_714 : vector<16xi1>, vector<16xf32>
      %sub3A_715 = arith.constant 4.000000e+00 : f32
      %sub3A_716 = vector.broadcast %sub3A_715 : f32 to vector<16xf32>
      %sub3A_717 = arith.subf %sub3A_716, %convert_element_type3A_702 : vector<16xf32>
      %div3A_718 = arith.constant 2.000000e+01 : f32
      %div3A_719 = vector.broadcast %div3A_718 : f32 to vector<16xf32>
      %div3A_720 = arith.divf %sub3A_717, %div3A_719 : vector<16xf32>
      %jit3A_721 = arith.constant 0.000000e+00 : f32
      %broadcast_in_dim3A_722 = vector.broadcast %jit3A_721 : f32 to vector<16xf32>
      %select_n3A_723 = arith.select %ne3A_708, %div3A_720, %broadcast_in_dim3A_722 : vector<16xi1>, vector<16xf32>
      %sub3A_724 = arith.constant 4.000000e+00 : f32
      %sub3A_725 = vector.broadcast %sub3A_724 : f32 to vector<16xf32>
      %sub3A_726 = arith.subf %sub3A_725, %convert_element_type3A_706 : vector<16xf32>
      %div3A_727 = arith.constant 2.000000e+01 : f32
      %div3A_728 = vector.broadcast %div3A_727 : f32 to vector<16xf32>
      %div3A_729 = arith.divf %sub3A_726, %div3A_728 : vector<16xf32>
      %jit3A_730 = arith.constant 0.000000e+00 : f32
      %broadcast_in_dim3A_731 = vector.broadcast %jit3A_730 : f32 to vector<16xf32>
      %select_n3A_732 = arith.select %ne3A_711, %div3A_729, %broadcast_in_dim3A_731 : vector<16xi1>, vector<16xf32>
      %div3A_733 = arith.constant 2.000000e+01 : f32
      %div3A_734 = vector.broadcast %div3A_733 : f32 to vector<16xf32>
      %div3A_735 = arith.divf %convert_element_type3A_706, %div3A_734 : vector<16xf32>
      %jit3A_736 = arith.constant 2.000000e-01 : f32
      %broadcast_in_dim3A_737 = vector.broadcast %jit3A_736 : f32 to vector<16xf32>
      %select_n3A_738 = arith.select %ne3A_711, %div3A_735, %broadcast_in_dim3A_737 : vector<16xi1>, vector<16xf32>
      %sub3A_739 = arith.constant 0.949999988 : f32
      %sub3A_740 = vector.broadcast %sub3A_739 : f32 to vector<16xf32>
      %sub3A_741 = arith.subf %sub3A_740, %get3A_642 : vector<16xf32>
      %sub3A_742 = arith.constant 0.949999988 : f32
      %sub3A_743 = vector.broadcast %sub3A_742 : f32 to vector<16xf32>
      %sub3A_744 = arith.subf %sub3A_743, %get3A_646 : vector<16xf32>
      %sub3A_745 = arith.constant 1.000000e+00 : f32
      %sub3A_746 = vector.broadcast %sub3A_745 : f32 to vector<16xf32>
      %sub3A_747 = arith.subf %sub3A_746, %get3A_642 : vector<16xf32>
      %sub3A_748 = arith.constant 1.000000e+00 : f32
      %sub3A_749 = vector.broadcast %sub3A_748 : f32 to vector<16xf32>
      %sub3A_750 = arith.subf %sub3A_749, %get3A_646 : vector<16xf32>
      %swap3A_751 = arith.constant 0 : i32
      %swap3A_752 = arith.index_cast %swap3A_751 : i32 to index
      %swap3A_753 = arith.index_cast %mul3A_638 : i32 to index
      %swap3A_754 = tpu.vector_load %arg11[%swap3A_752, %swap3A_753] {strides = array<i32>} : memref<19x1024xf32, #tpu.memory_space<vmem>>, vector<16xf32>,
      tpu.vector_store %arg11[%swap3A_752, %swap3A_753], %get3A_642 {strides = array<i32>} : memref<19x1024xf32, #tpu.memory_space<vmem>>, vector<16xf32>,
      %swap3A_755 = arith.constant 1 : i32
      %swap3A_756 = arith.index_cast %swap3A_755 : i32 to index
      %swap3A_757 = arith.index_cast %mul3A_638 : i32 to index
      %swap3A_758 = tpu.vector_load %arg11[%swap3A_756, %swap3A_757] {strides = array<i32>} : memref<19x1024xf32, #tpu.memory_space<vmem>>, vector<16xf32>,
      tpu.vector_store %arg11[%swap3A_756, %swap3A_757], %get3A_646 {strides = array<i32>} : memref<19x1024xf32, #tpu.memory_space<vmem>>, vector<16xf32>,
      %swap3A_759 = arith.constant 2 : i32
      %swap3A_760 = arith.index_cast %swap3A_759 : i32 to index
      %swap3A_761 = arith.index_cast %mul3A_638 : i32 to index
      %swap3A_762 = tpu.vector_load %arg11[%swap3A_760, %swap3A_761] {strides = array<i32>} : memref<19x1024xf32, #tpu.memory_space<vmem>>, vector<16xf32>,
      tpu.vector_store %arg11[%swap3A_760, %swap3A_761], %sub3A_741 {strides = array<i32>} : memref<19x1024xf32, #tpu.memory_space<vmem>>, vector<16xf32>,
      %swap3A_763 = arith.constant 3 : i32
      %swap3A_764 = arith.index_cast %swap3A_763 : i32 to index
      %swap3A_765 = arith.index_cast %mul3A_638 : i32 to index
      %swap3A_766 = tpu.vector_load %arg11[%swap3A_764, %swap3A_765] {strides = array<i32>} : memref<19x1024xf32, #tpu.memory_space<vmem>>, vector<16xf32>,
      tpu.vector_store %arg11[%swap3A_764, %swap3A_765], %sub3A_744 {strides = array<i32>} : memref<19x1024xf32, #tpu.memory_space<vmem>>, vector<16xf32>,
      %swap3A_767 = arith.constant 4 : i32
      %swap3A_768 = arith.index_cast %swap3A_767 : i32 to index
      %swap3A_769 = arith.index_cast %mul3A_638 : i32 to index
      %swap3A_770 = tpu.vector_load %arg11[%swap3A_768, %swap3A_769] {strides = array<i32>} : memref<19x1024xf32, #tpu.memory_space<vmem>>, vector<16xf32>,
      tpu.vector_store %arg11[%swap3A_768, %swap3A_769], %gather3A_658 {strides = array<i32>} : memref<19x1024xf32, #tpu.memory_space<vmem>>, vector<16xf32>,
      %swap3A_771 = arith.constant 5 : i32
      %swap3A_772 = arith.index_cast %swap3A_771 : i32 to index
      %swap3A_773 = arith.index_cast %mul3A_638 : i32 to index
      %swap3A_774 = tpu.vector_load %arg11[%swap3A_772, %swap3A_773] {strides = array<i32>} : memref<19x1024xf32, #tpu.memory_space<vmem>>, vector<16xf32>,
      tpu.vector_store %arg11[%swap3A_772, %swap3A_773], %gather3A_659 {strides = array<i32>} : memref<19x1024xf32, #tpu.memory_space<vmem>>, vector<16xf32>,
      %swap3A_775 = arith.constant 6 : i32
      %swap3A_776 = arith.index_cast %swap3A_775 : i32 to index
      %swap3A_777 = arith.index_cast %mul3A_638 : i32 to index
      %swap3A_778 = tpu.vector_load %arg11[%swap3A_776, %swap3A_777] {strides = array<i32>} : memref<19x1024xf32, #tpu.memory_space<vmem>>, vector<16xf32>,
      tpu.vector_store %arg11[%swap3A_776, %swap3A_777], %gather3A_669 {strides = array<i32>} : memref<19x1024xf32, #tpu.memory_space<vmem>>, vector<16xf32>,
      %swap3A_779 = arith.constant 7 : i32
      %swap3A_780 = arith.index_cast %swap3A_779 : i32 to index
      %swap3A_781 = arith.index_cast %mul3A_638 : i32 to index
      %swap3A_782 = tpu.vector_load %arg11[%swap3A_780, %swap3A_781] {strides = array<i32>} : memref<19x1024xf32, #tpu.memory_space<vmem>>, vector<16xf32>,
      tpu.vector_store %arg11[%swap3A_780, %swap3A_781], %get3A_642 {strides = array<i32>} : memref<19x1024xf32, #tpu.memory_space<vmem>>, vector<16xf32>,
      %swap3A_783 = arith.constant 8 : i32
      %swap3A_784 = arith.index_cast %swap3A_783 : i32 to index
      %swap3A_785 = arith.index_cast %mul3A_638 : i32 to index
      %swap3A_786 = tpu.vector_load %arg11[%swap3A_784, %swap3A_785] {strides = array<i32>} : memref<19x1024xf32, #tpu.memory_space<vmem>>, vector<16xf32>,
      tpu.vector_store %arg11[%swap3A_784, %swap3A_785], %sub3A_747 {strides = array<i32>} : memref<19x1024xf32, #tpu.memory_space<vmem>>, vector<16xf32>,
      %swap3A_787 = arith.constant 9 : i32
      %swap3A_788 = arith.index_cast %swap3A_787 : i32 to index
      %swap3A_789 = arith.index_cast %mul3A_638 : i32 to index
      %swap3A_790 = tpu.vector_load %arg11[%swap3A_788, %swap3A_789] {strides = array<i32>} : memref<19x1024xf32, #tpu.memory_space<vmem>>, vector<16xf32>,
      tpu.vector_store %arg11[%swap3A_788, %swap3A_789], %get3A_646 {strides = array<i32>} : memref<19x1024xf32, #tpu.memory_space<vmem>>, vector<16xf32>,
      %swap3A_791 = arith.constant 10 : i32
      %swap3A_792 = arith.index_cast %swap3A_791 : i32 to index
      %swap3A_793 = arith.index_cast %mul3A_638 : i32 to index
      %swap3A_794 = tpu.vector_load %arg11[%swap3A_792, %swap3A_793] {strides = array<i32>} : memref<19x1024xf32, #tpu.memory_space<vmem>>, vector<16xf32>,
      tpu.vector_store %arg11[%swap3A_792, %swap3A_793], %sub3A_750 {strides = array<i32>} : memref<19x1024xf32, #tpu.memory_space<vmem>>, vector<16xf32>,
      %swap3A_795 = arith.constant 11 : i32
      %swap3A_796 = arith.index_cast %swap3A_795 : i32 to index
      %swap3A_797 = arith.index_cast %mul3A_638 : i32 to index
      %swap3A_798 = tpu.vector_load %arg11[%swap3A_796, %swap3A_797] {strides = array<i32>} : memref<19x1024xf32, #tpu.memory_space<vmem>>, vector<16xf32>,
      tpu.vector_store %arg11[%swap3A_796, %swap3A_797], %gather3A_672 {strides = array<i32>} : memref<19x1024xf32, #tpu.memory_space<vmem>>, vector<16xf32>,
      %swap3A_799 = arith.constant 12 : i32
      %swap3A_800 = arith.index_cast %swap3A_799 : i32 to index
      %swap3A_801 = arith.index_cast %mul3A_638 : i32 to index
      %swap3A_802 = tpu.vector_load %arg11[%swap3A_800, %swap3A_801] {strides = array<i32>} : memref<19x1024xf32, #tpu.memory_space<vmem>>, vector<16xf32>,
      tpu.vector_store %arg11[%swap3A_800, %swap3A_801], %gather3A_680 {strides = array<i32>} : memref<19x1024xf32, #tpu.memory_space<vmem>>, vector<16xf32>,
      %swap3A_803 = arith.constant 13 : i32
      %swap3A_804 = arith.index_cast %swap3A_803 : i32 to index
      %swap3A_805 = arith.index_cast %mul3A_638 : i32 to index
      %swap3A_806 = tpu.vector_load %arg11[%swap3A_804, %swap3A_805] {strides = array<i32>} : memref<19x1024xf32, #tpu.memory_space<vmem>>, vector<16xf32>,
      tpu.vector_store %arg11[%swap3A_804, %swap3A_805], %gather3A_688 {strides = array<i32>} : memref<19x1024xf32, #tpu.memory_space<vmem>>, vector<16xf32>,
      %swap3A_807 = arith.constant 14 : i32
      %swap3A_808 = arith.index_cast %swap3A_807 : i32 to index
      %swap3A_809 = arith.index_cast %mul3A_638 : i32 to index
      %swap3A_810 = tpu.vector_load %arg11[%swap3A_808, %swap3A_809] {strides = array<i32>} : memref<19x1024xf32, #tpu.memory_space<vmem>>, vector<16xf32>,
      tpu.vector_store %arg11[%swap3A_808, %swap3A_809], %gather3A_699 {strides = array<i32>} : memref<19x1024xf32, #tpu.memory_space<vmem>>, vector<16xf32>,
      %swap3A_811 = arith.constant 15 : i32
      %swap3A_812 = arith.index_cast %swap3A_811 : i32 to index
      %swap3A_813 = arith.index_cast %mul3A_638 : i32 to index
      %swap3A_814 = tpu.vector_load %arg11[%swap3A_812, %swap3A_813] {strides = array<i32>} : memref<19x1024xf32, #tpu.memory_space<vmem>>, vector<16xf32>,
      tpu.vector_store %arg11[%swap3A_812, %swap3A_813], %select_n3A {strides = array<i32>} : memref<19x1024xf32, #tpu.memory_space<vmem>>, vector<16xf32>,
      %swap3A_815 = arith.constant 16 : i32
      %swap3A_816 = arith.index_cast %swap3A_815 : i32 to index
      %swap3A_817 = arith.index_cast %mul3A_638 : i32 to index
      %swap3A_818 = tpu.vector_load %arg11[%swap3A_816, %swap3A_817] {strides = array<i32>} : memref<19x1024xf32, #tpu.memory_space<vmem>>, vector<16xf32>,
      tpu.vector_store %arg11[%swap3A_816, %swap3A_817], %select_n3A_723 {strides = array<i32>} : memref<19x1024xf32, #tpu.memory_space<vmem>>, vector<16xf32>,
      %swap3A_819 = arith.constant 17 : i32
      %swap3A_820 = arith.index_cast %swap3A_819 : i32 to index
      %swap3A_821 = arith.index_cast %mul3A_638 : i32 to index
      %swap3A_822 = tpu.vector_load %arg11[%swap3A_820, %swap3A_821] {strides = array<i32>} : memref<19x1024xf32, #tpu.memory_space<vmem>>, vector<16xf32>,
      tpu.vector_store %arg11[%swap3A_820, %swap3A_821], %select_n3A_732 {strides = array<i32>} : memref<19x1024xf32, #tpu.memory_space<vmem>>, vector<16xf32>,
      %swap3A_823 = arith.constant 18 : i32
      %swap3A_824 = arith.index_cast %swap3A_823 : i32 to index
      %swap3A_825 = arith.index_cast %mul3A_638 : i32 to index
      %swap3A_826 = tpu.vector_load %arg11[%swap3A_824, %swap3A_825] {strides = array<i32>} : memref<19x1024xf32, #tpu.memory_space<vmem>>, vector<16xf32>,
      tpu.vector_store %arg11[%swap3A_824, %swap3A_825], %select_n3A_738 {strides = array<i32>} : memref<19x1024xf32, #tpu.memory_space<vmem>>, vector<16xf32>,
      %mul3A_827 = arith.constant 2 : i32
      %mul3A_828 = arith.muli %scan3A_632, %mul3A_827 : i32
      %add3A_829 = arith.constant 1 : i32
      %add3A_830 = arith.addi %mul3A_828, %add3A_829 : i32
      %mul3A_831 = arith.constant 16 : i32
      %mul3A_832 = arith.muli %add3A_830, %mul3A_831 : i32
      %get3A_833 = arith.constant 0 : i32
      %get3A_834 = arith.index_cast %get3A_833 : i32 to index
      %get3A_835 = arith.index_cast %mul3A_832 : i32 to index
      %get3A_836 = tpu.vector_load %arg7[%get3A_834, %get3A_835] {strides = array<i32>} : memref<2x1024xf32, #tpu.memory_space<vmem>>, vector<16xf32>,
      %get3A_837 = arith.constant 1 : i32
      %get3A_838 = arith.index_cast %get3A_837 : i32 to index
      %get3A_839 = arith.index_cast %mul3A_832 : i32 to index
      %get3A_840 = tpu.vector_load %arg7[%get3A_838, %get3A_839] {strides = array<i32>} : memref<2x1024xf32, #tpu.memory_space<vmem>>, vector<16xf32>,
      %mul3A_841 = arith.constant 2.000000e+01 : f32
      %mul3A_842 = vector.broadcast %mul3A_841 : f32 to vector<16xf32>
      %mul3A_843 = arith.mulf %get3A_836, %mul3A_842 : vector<16xf32>
      %convert_element_type3A_844 = arith.fptosi %mul3A_843 : vector<16xf32> to vector<16xi32>
      %mul3A_845 = arith.constant 2.000000e+01 : f32
      %mul3A_846 = vector.broadcast %mul3A_845 : f32 to vector<16xf32>
      %mul3A_847 = arith.mulf %get3A_840, %mul3A_846 : vector<16xf32>
      %convert_element_type3A_848 = arith.fptosi %mul3A_847 : vector<16xf32> to vector<16xi32>
      %mul3A_849 = arith.constant 21 : i32
      %mul3A_850 = vector.broadcast %mul3A_849 : i32 to vector<16xi32>
      %mul3A_851 = arith.muli %convert_element_type3A_844, %mul3A_850 : vector<16xi32>
      %add3A_852 = arith.addi %mul3A_851, %convert_element_type3A_848 : vector<16xi32>
      %gather3A_853 = tpu.vector_load_idx %arg12[%add3A_852] : memref<457xf32, #tpu.memory_space<vmem>>[vector<16xi32>], vector<16xf32>,
      %gather3A_854 = tpu.vector_load_idx %arg13[%add3A_852] : memref<457xf32, #tpu.memory_space<vmem>>[vector<16xi32>], vector<16xf32>,
      %shift_right_arithmetic3A_855 = arith.constant 2 : i32
      %shift_right_arithmetic3A_856 = vector.broadcast %shift_right_arithmetic3A_855 : i32 to vector<16xi32>
      %shift_right_arithmetic3A_857 = arith.shrsi %convert_element_type3A_844, %shift_right_arithmetic3A_856 : vector<16xi32>
      %shift_right_arithmetic3A_858 = arith.constant 2 : i32
      %shift_right_arithmetic3A_859 = vector.broadcast %shift_right_arithmetic3A_858 : i32 to vector<16xi32>
      %shift_right_arithmetic3A_860 = arith.shrsi %convert_element_type3A_848, %shift_right_arithmetic3A_859 : vector<16xi32>
      %mul3A_861 = arith.constant 6 : i32
      %mul3A_862 = vector.broadcast %mul3A_861 : i32 to vector<16xi32>
      %mul3A_863 = arith.muli %shift_right_arithmetic3A_857, %mul3A_862 : vector<16xi32>
      %add3A_864 = arith.addi %mul3A_863, %shift_right_arithmetic3A_860 : vector<16xi32>
      %gather3A_865 = tpu.vector_load_idx %arg14[%add3A_864] : memref<52xf32, #tpu.memory_space<vmem>>[vector<16xi32>], vector<16xf32>,
      %sub3A_866 = arith.constant 6 : i32
      %sub3A_867 = vector.broadcast %sub3A_866 : i32 to vector<16xi32>
      %sub3A_868 = arith.subi %add3A_864, %sub3A_867 : vector<16xi32>
      %max3A_869 = arith.maxsi %sub3A_868, %shift_right_arithmetic3A_860 : vector<16xi32>
      %gather3A_870 = tpu.vector_load_idx %arg14[%max3A_869] : memref<52xf32, #tpu.memory_space<vmem>>[vector<16xi32>], vector<16xf32>,
      %add3A_871 = arith.constant 6 : i32
      %add3A_872 = vector.broadcast %add3A_871 : i32 to vector<16xi32>
      %add3A_873 = arith.addi %add3A_864, %add3A_872 : vector<16xi32>
      %add3A_874 = arith.constant 30 : i32
      %add3A_875 = vector.broadcast %add3A_874 : i32 to vector<16xi32>
      %add3A_876 = arith.addi %shift_right_arithmetic3A_860, %add3A_875 : vector<16xi32>
      %min3A_877 = arith.minsi %add3A_873, %add3A_876 : vector<16xi32>
      %gather3A_878 = tpu.vector_load_idx %arg14[%min3A_877] : memref<52xf32, #tpu.memory_space<vmem>>[vector<16xi32>], vector<16xf32>,
      %sub3A_879 = arith.constant 1 : i32
      %sub3A_880 = vector.broadcast %sub3A_879 : i32 to vector<16xi32>
      %sub3A_881 = arith.subi %add3A_864, %sub3A_880 : vector<16xi32>
      %mul3A_882 = arith.constant 6 : i32
      %mul3A_883 = vector.broadcast %mul3A_882 : i32 to vector<16xi32>
      %mul3A_884 = arith.muli %shift_right_arithmetic3A_857, %mul3A_883 : vector<16xi32>
      %max3A_885 = arith.maxsi %sub3A_881, %mul3A_884 : vector<16xi32>
      %gather3A_886 = tpu.vector_load_idx %arg14[%max3A_885] : memref<52xf32, #tpu.memory_space<vmem>>[vector<16xi32>], vector<16xf32>,
      %add3A_887 = arith.constant 1 : i32
      %add3A_888 = vector.broadcast %add3A_887 : i32 to vector<16xi32>
      %add3A_889 = arith.addi %add3A_864, %add3A_888 : vector<16xi32>
      %mul3A_890 = arith.constant 6 : i32
      %mul3A_891 = vector.broadcast %mul3A_890 : i32 to vector<16xi32>
      %mul3A_892 = arith.muli %shift_right_arithmetic3A_857, %mul3A_891 : vector<16xi32>
      %add3A_893 = arith.constant 5 : i32
      %add3A_894 = vector.broadcast %add3A_893 : i32 to vector<16xi32>
      %add3A_895 = arith.addi %mul3A_892, %add3A_894 : vector<16xi32>
      %min3A_896 = arith.minsi %add3A_889, %add3A_895 : vector<16xi32>
      %gather3A_897 = tpu.vector_load_idx %arg14[%min3A_896] : memref<52xf32, #tpu.memory_space<vmem>>[vector<16xi32>], vector<16xf32>,
      %and3A_898 = arith.constant 3 : i32
      %and3A_899 = vector.broadcast %and3A_898 : i32 to vector<16xi32>
      %and3A_900 = arith.andi %convert_element_type3A_844, %and3A_899 : vector<16xi32>
      %convert_element_type3A_901 = arith.sitofp %and3A_900 : vector<16xi32> to vector<16xf32>
      %and3A_902 = arith.constant 3 : i32
      %and3A_903 = vector.broadcast %and3A_902 : i32 to vector<16xi32>
      %and3A_904 = arith.andi %convert_element_type3A_848, %and3A_903 : vector<16xi32>
      %convert_element_type3A_905 = arith.sitofp %and3A_904 : vector<16xi32> to vector<16xf32>
      %ne3A_906 = arith.constant 20 : i32
      %ne3A_907 = vector.broadcast %ne3A_906 : i32 to vector<16xi32>
      %ne3A_908 = arith.cmpi ne, %convert_element_type3A_844, %ne3A_907 : vector<16xi32>
      %ne3A_909 = arith.constant 20 : i32
      %ne3A_910 = vector.broadcast %ne3A_909 : i32 to vector<16xi32>
      %ne3A_911 = arith.cmpi ne, %convert_element_type3A_848, %ne3A_910 : vector<16xi32>
      %div3A_912 = arith.constant 2.000000e+01 : f32
      %div3A_913 = vector.broadcast %div3A_912 : f32 to vector<16xf32>
      %div3A_914 = arith.divf %convert_element_type3A_901, %div3A_913 : vector<16xf32>
      %jit3A_915 = arith.constant 2.000000e-01 : f32
      %broadcast_in_dim3A_916 = vector.broadcast %jit3A_915 : f32 to vector<16xf32>
      %select_n3A_917 = arith.select %ne3A_908, %div3A_914, %broadcast_in_dim3A_916 : vector<16xi1>, vector<16xf32>
      %sub3A_918 = arith.constant 4.000000e+00 : f32
      %sub3A_919 = vector.broadcast %sub3A_918 : f32 to vector<16xf32>
      %sub3A_920 = arith.subf %sub3A_919, %convert_element_type3A_901 : vector<16xf32>
      %div3A_921 = arith.constant 2.000000e+01 : f32
      %div3A_922 = vector.broadcast %div3A_921 : f32 to vector<16xf32>
      %div3A_923 = arith.divf %sub3A_920, %div3A_922 : vector<16xf32>
      %jit3A_924 = arith.constant 0.000000e+00 : f32
      %broadcast_in_dim3A_925 = vector.broadcast %jit3A_924 : f32 to vector<16xf32>
      %select_n3A_926 = arith.select %ne3A_908, %div3A_923, %broadcast_in_dim3A_925 : vector<16xi1>, vector<16xf32>
      %sub3A_927 = arith.constant 4.000000e+00 : f32
      %sub3A_928 = vector.broadcast %sub3A_927 : f32 to vector<16xf32>
      %sub3A_929 = arith.subf %sub3A_928, %convert_element_type3A_905 : vector<16xf32>
      %div3A_930 = arith.constant 2.000000e+01 : f32
      %div3A_931 = vector.broadcast %div3A_930 : f32 to vector<16xf32>
      %div3A_932 = arith.divf %sub3A_929, %div3A_931 : vector<16xf32>
      %jit3A_933 = arith.constant 0.000000e+00 : f32
      %broadcast_in_dim3A_934 = vector.broadcast %jit3A_933 : f32 to vector<16xf32>
      %select_n3A_935 = arith.select %ne3A_911, %div3A_932, %broadcast_in_dim3A_934 : vector<16xi1>, vector<16xf32>
      %div3A_936 = arith.constant 2.000000e+01 : f32
      %div3A_937 = vector.broadcast %div3A_936 : f32 to vector<16xf32>
      %div3A_938 = arith.divf %convert_element_type3A_905, %div3A_937 : vector<16xf32>
      %jit3A_939 = arith.constant 2.000000e-01 : f32
      %broadcast_in_dim3A_940 = vector.broadcast %jit3A_939 : f32 to vector<16xf32>
      %select_n3A_941 = arith.select %ne3A_911, %div3A_938, %broadcast_in_dim3A_940 : vector<16xi1>, vector<16xf32>
      %sub3A_942 = arith.constant 0.949999988 : f32
      %sub3A_943 = vector.broadcast %sub3A_942 : f32 to vector<16xf32>
      %sub3A_944 = arith.subf %sub3A_943, %get3A_836 : vector<16xf32>
      %sub3A_945 = arith.constant 0.949999988 : f32
      %sub3A_946 = vector.broadcast %sub3A_945 : f32 to vector<16xf32>
      %sub3A_947 = arith.subf %sub3A_946, %get3A_840 : vector<16xf32>
      %sub3A_948 = arith.constant 1.000000e+00 : f32
      %sub3A_949 = vector.broadcast %sub3A_948 : f32 to vector<16xf32>
      %sub3A_950 = arith.subf %sub3A_949, %get3A_836 : vector<16xf32>
      %sub3A_951 = arith.constant 1.000000e+00 : f32
      %sub3A_952 = vector.broadcast %sub3A_951 : f32 to vector<16xf32>
      %sub3A_953 = arith.subf %sub3A_952, %get3A_840 : vector<16xf32>
      %swap3A_954 = arith.constant 0 : i32
      %swap3A_955 = arith.index_cast %swap3A_954 : i32 to index
      %swap3A_956 = arith.index_cast %mul3A_832 : i32 to index
      %swap3A_957 = tpu.vector_load %arg11[%swap3A_955, %swap3A_956] {strides = array<i32>} : memref<19x1024xf32, #tpu.memory_space<vmem>>, vector<16xf32>,
      tpu.vector_store %arg11[%swap3A_955, %swap3A_956], %get3A_836 {strides = array<i32>} : memref<19x1024xf32, #tpu.memory_space<vmem>>, vector<16xf32>,
      %swap3A_958 = arith.constant 1 : i32
      %swap3A_959 = arith.index_cast %swap3A_958 : i32 to index
      %swap3A_960 = arith.index_cast %mul3A_832 : i32 to index
      %swap3A_961 = tpu.vector_load %arg11[%swap3A_959, %swap3A_960] {strides = array<i32>} : memref<19x1024xf32, #tpu.memory_space<vmem>>, vector<16xf32>,
      tpu.vector_store %arg11[%swap3A_959, %swap3A_960], %get3A_840 {strides = array<i32>} : memref<19x1024xf32, #tpu.memory_space<vmem>>, vector<16xf32>,
      %swap3A_962 = arith.constant 2 : i32
      %swap3A_963 = arith.index_cast %swap3A_962 : i32 to index
      %swap3A_964 = arith.index_cast %mul3A_832 : i32 to index
      %swap3A_965 = tpu.vector_load %arg11[%swap3A_963, %swap3A_964] {strides = array<i32>} : memref<19x1024xf32, #tpu.memory_space<vmem>>, vector<16xf32>,
      tpu.vector_store %arg11[%swap3A_963, %swap3A_964], %sub3A_944 {strides = array<i32>} : memref<19x1024xf32, #tpu.memory_space<vmem>>, vector<16xf32>,
      %swap3A_966 = arith.constant 3 : i32
      %swap3A_967 = arith.index_cast %swap3A_966 : i32 to index
      %swap3A_968 = arith.index_cast %mul3A_832 : i32 to index
      %swap3A_969 = tpu.vector_load %arg11[%swap3A_967, %swap3A_968] {strides = array<i32>} : memref<19x1024xf32, #tpu.memory_space<vmem>>, vector<16xf32>,
      tpu.vector_store %arg11[%swap3A_967, %swap3A_968], %sub3A_947 {strides = array<i32>} : memref<19x1024xf32, #tpu.memory_space<vmem>>, vector<16xf32>,
      %swap3A_970 = arith.constant 4 : i32
      %swap3A_971 = arith.index_cast %swap3A_970 : i32 to index
      %swap3A_972 = arith.index_cast %mul3A_832 : i32 to index
      %swap3A_973 = tpu.vector_load %arg11[%swap3A_971, %swap3A_972] {strides = array<i32>} : memref<19x1024xf32, #tpu.memory_space<vmem>>, vector<16xf32>,
      tpu.vector_store %arg11[%swap3A_971, %swap3A_972], %gather3A_853 {strides = array<i32>} : memref<19x1024xf32, #tpu.memory_space<vmem>>, vector<16xf32>,
      %swap3A_974 = arith.constant 5 : i32
      %swap3A_975 = arith.index_cast %swap3A_974 : i32 to index
      %swap3A_976 = arith.index_cast %mul3A_832 : i32 to index
      %swap3A_977 = tpu.vector_load %arg11[%swap3A_975, %swap3A_976] {strides = array<i32>} : memref<19x1024xf32, #tpu.memory_space<vmem>>, vector<16xf32>,
      tpu.vector_store %arg11[%swap3A_975, %swap3A_976], %gather3A_854 {strides = array<i32>} : memref<19x1024xf32, #tpu.memory_space<vmem>>, vector<16xf32>,
      %swap3A_978 = arith.constant 6 : i32
      %swap3A_979 = arith.index_cast %swap3A_978 : i32 to index
      %swap3A_980 = arith.index_cast %mul3A_832 : i32 to index
      %swap3A_981 = tpu.vector_load %arg11[%swap3A_979, %swap3A_980] {strides = array<i32>} : memref<19x1024xf32, #tpu.memory_space<vmem>>, vector<16xf32>,
      tpu.vector_store %arg11[%swap3A_979, %swap3A_980], %gather3A_865 {strides = array<i32>} : memref<19x1024xf32, #tpu.memory_space<vmem>>, vector<16xf32>,
      %swap3A_982 = arith.constant 7 : i32
      %swap3A_983 = arith.index_cast %swap3A_982 : i32 to index
      %swap3A_984 = arith.index_cast %mul3A_832 : i32 to index
      %swap3A_985 = tpu.vector_load %arg11[%swap3A_983, %swap3A_984] {strides = array<i32>} : memref<19x1024xf32, #tpu.memory_space<vmem>>, vector<16xf32>,
      tpu.vector_store %arg11[%swap3A_983, %swap3A_984], %get3A_836 {strides = array<i32>} : memref<19x1024xf32, #tpu.memory_space<vmem>>, vector<16xf32>,
      %swap3A_986 = arith.constant 8 : i32
      %swap3A_987 = arith.index_cast %swap3A_986 : i32 to index
      %swap3A_988 = arith.index_cast %mul3A_832 : i32 to index
      %swap3A_989 = tpu.vector_load %arg11[%swap3A_987, %swap3A_988] {strides = array<i32>} : memref<19x1024xf32, #tpu.memory_space<vmem>>, vector<16xf32>,
      tpu.vector_store %arg11[%swap3A_987, %swap3A_988], %sub3A_950 {strides = array<i32>} : memref<19x1024xf32, #tpu.memory_space<vmem>>, vector<16xf32>,
      %swap3A_990 = arith.constant 9 : i32
      %swap3A_991 = arith.index_cast %swap3A_990 : i32 to index
      %swap3A_992 = arith.index_cast %mul3A_832 : i32 to index
      %swap3A_993 = tpu.vector_load %arg11[%swap3A_991, %swap3A_992] {strides = array<i32>} : memref<19x1024xf32, #tpu.memory_space<vmem>>, vector<16xf32>,
      tpu.vector_store %arg11[%swap3A_991, %swap3A_992], %get3A_840 {strides = array<i32>} : memref<19x1024xf32, #tpu.memory_space<vmem>>, vector<16xf32>,
      %swap3A_994 = arith.constant 10 : i32
      %swap3A_995 = arith.index_cast %swap3A_994 : i32 to index
      %swap3A_996 = arith.index_cast %mul3A_832 : i32 to index
      %swap3A_997 = tpu.vector_load %arg11[%swap3A_995, %swap3A_996] {strides = array<i32>} : memref<19x1024xf32, #tpu.memory_space<vmem>>, vector<16xf32>,
      tpu.vector_store %arg11[%swap3A_995, %swap3A_996], %sub3A_953 {strides = array<i32>} : memref<19x1024xf32, #tpu.memory_space<vmem>>, vector<16xf32>,
      %swap3A_998 = arith.constant 11 : i32
      %swap3A_999 = arith.index_cast %swap3A_998 : i32 to index
      %swap3A_1000 = arith.index_cast %mul3A_832 : i32 to index
      %swap3A_1001 = tpu.vector_load %arg11[%swap3A_999, %swap3A_1000] {strides = array<i32>} : memref<19x1024xf32, #tpu.memory_space<vmem>>, vector<16xf32>,
      tpu.vector_store %arg11[%swap3A_999, %swap3A_1000], %gather3A_870 {strides = array<i32>} : memref<19x1024xf32, #tpu.memory_space<vmem>>, vector<16xf32>,
      %swap3A_1002 = arith.constant 12 : i32
      %swap3A_1003 = arith.index_cast %swap3A_1002 : i32 to index
      %swap3A_1004 = arith.index_cast %mul3A_832 : i32 to index
      %swap3A_1005 = tpu.vector_load %arg11[%swap3A_1003, %swap3A_1004] {strides = array<i32>} : memref<19x1024xf32, #tpu.memory_space<vmem>>, vector<16xf32>,
      tpu.vector_store %arg11[%swap3A_1003, %swap3A_1004], %gather3A_878 {strides = array<i32>} : memref<19x1024xf32, #tpu.memory_space<vmem>>, vector<16xf32>,
      %swap3A_1006 = arith.constant 13 : i32
      %swap3A_1007 = arith.index_cast %swap3A_1006 : i32 to index
      %swap3A_1008 = arith.index_cast %mul3A_832 : i32 to index
      %swap3A_1009 = tpu.vector_load %arg11[%swap3A_1007, %swap3A_1008] {strides = array<i32>} : memref<19x1024xf32, #tpu.memory_space<vmem>>, vector<16xf32>,
      tpu.vector_store %arg11[%swap3A_1007, %swap3A_1008], %gather3A_886 {strides = array<i32>} : memref<19x1024xf32, #tpu.memory_space<vmem>>, vector<16xf32>,
      %swap3A_1010 = arith.constant 14 : i32
      %swap3A_1011 = arith.index_cast %swap3A_1010 : i32 to index
      %swap3A_1012 = arith.index_cast %mul3A_832 : i32 to index
      %swap3A_1013 = tpu.vector_load %arg11[%swap3A_1011, %swap3A_1012] {strides = array<i32>} : memref<19x1024xf32, #tpu.memory_space<vmem>>, vector<16xf32>,
      tpu.vector_store %arg11[%swap3A_1011, %swap3A_1012], %gather3A_897 {strides = array<i32>} : memref<19x1024xf32, #tpu.memory_space<vmem>>, vector<16xf32>,
      %swap3A_1014 = arith.constant 15 : i32
      %swap3A_1015 = arith.index_cast %swap3A_1014 : i32 to index
      %swap3A_1016 = arith.index_cast %mul3A_832 : i32 to index
      %swap3A_1017 = tpu.vector_load %arg11[%swap3A_1015, %swap3A_1016] {strides = array<i32>} : memref<19x1024xf32, #tpu.memory_space<vmem>>, vector<16xf32>,
      tpu.vector_store %arg11[%swap3A_1015, %swap3A_1016], %select_n3A_917 {strides = array<i32>} : memref<19x1024xf32, #tpu.memory_space<vmem>>, vector<16xf32>,
      %swap3A_1018 = arith.constant 16 : i32
      %swap3A_1019 = arith.index_cast %swap3A_1018 : i32 to index
      %swap3A_1020 = arith.index_cast %mul3A_832 : i32 to index
      %swap3A_1021 = tpu.vector_load %arg11[%swap3A_1019, %swap3A_1020] {strides = array<i32>} : memref<19x1024xf32, #tpu.memory_space<vmem>>, vector<16xf32>,
      tpu.vector_store %arg11[%swap3A_1019, %swap3A_1020], %select_n3A_926 {strides = array<i32>} : memref<19x1024xf32, #tpu.memory_space<vmem>>, vector<16xf32>,
      %swap3A_1022 = arith.constant 17 : i32
      %swap3A_1023 = arith.index_cast %swap3A_1022 : i32 to index
      %swap3A_1024 = arith.index_cast %mul3A_832 : i32 to index
      %swap3A_1025 = tpu.vector_load %arg11[%swap3A_1023, %swap3A_1024] {strides = array<i32>} : memref<19x1024xf32, #tpu.memory_space<vmem>>, vector<16xf32>,
      tpu.vector_store %arg11[%swap3A_1023, %swap3A_1024], %select_n3A_935 {strides = array<i32>} : memref<19x1024xf32, #tpu.memory_space<vmem>>, vector<16xf32>,
      %swap3A_1026 = arith.constant 18 : i32
      %swap3A_1027 = arith.index_cast %swap3A_1026 : i32 to index
      %swap3A_1028 = arith.index_cast %mul3A_832 : i32 to index
      %swap3A_1029 = tpu.vector_load %arg11[%swap3A_1027, %swap3A_1028] {strides = array<i32>} : memref<19x1024xf32, #tpu.memory_space<vmem>>, vector<16xf32>,
      tpu.vector_store %arg11[%swap3A_1027, %swap3A_1028], %select_n3A_941 {strides = array<i32>} : memref<19x1024xf32, #tpu.memory_space<vmem>>, vector<16xf32>,
    }
    %scan3A_599 = arith.constant 16 : i32
    %add3A_600 = arith.constant 512 : i32
    %add3A_601 = arith.addi %mul3A_2, %add3A_600 : i32
    %dma_start3A_602 = arith.constant 0 : i32
    %dma_start3A_603 = arith.constant 512 : i32
    %dma_start3A_604 = tpu.memref_slice %arg11[%dma_start3A_602, %dma_start3A_603] : memref<19x1024xf32, #tpu.memory_space<vmem>> -> memref<19x512xf32, #tpu.memory_space<vmem>>
    %dma_start3A_605 = arith.constant 0 : i32
    %dma_start3A_606 = tpu.memref_slice %arg6[%dma_start3A_605, %add3A_601] : memref<19x16384xf32, #tpu.memory_space<hbm>> -> memref<19x512xf32, #tpu.memory_space<hbm>>
    %dma_start3A_607 = arith.constant 0 : i32
    %dma_start3A_608 = tpu.memref_slice %arg6[%dma_start3A_607, %add3A_601] : memref<19x16384xf32, #tpu.memory_space<hbm>> -> memref<19x512xf32, #tpu.memory_space<hbm>>
    %dma_start3A_609 = arith.constant 0 : i32
    %dma_start3A_610 = arith.constant 512 : i32
    %dma_start3A_611 = tpu.memref_slice %arg11[%dma_start3A_609, %dma_start3A_610] : memref<19x1024xf32, #tpu.memory_space<vmem>> -> memref<19x512xf32, #tpu.memory_space<vmem>>
    tpu.enqueue_dma source(%dma_start3A_611 : memref<19x512xf32, #tpu.memory_space<vmem>>) target(%dma_start3A_608 : memref<19x512xf32, #tpu.memory_space<hbm>>) target_semaphore(%arg15 : memref<!tpu.dma_semaphore, #tpu.memory_space<semaphore_mem>>)
    %dma_wait3A_612 = arith.constant 0 : i32
    %dma_wait3A_613 = arith.constant 0 : i32
    %dma_wait3A_614 = tpu.memref_slice %arg11[%dma_wait3A_612, %dma_wait3A_613] : memref<19x1024xf32, #tpu.memory_space<vmem>> -> memref<19x512xf32, #tpu.memory_space<vmem>>
    %dma_wait3A_615 = arith.constant 0 : i32
    %dma_wait3A_616 = tpu.memref_slice %arg6[%dma_wait3A_615, %mul3A_2] : memref<19x16384xf32, #tpu.memory_space<hbm>> -> memref<19x512xf32, #tpu.memory_space<hbm>>
    %dma_wait3A_617 = arith.constant 0 : i32
    %dma_wait3A_618 = tpu.memref_slice %arg6[%dma_wait3A_617, %mul3A_2] : memref<19x16384xf32, #tpu.memory_space<hbm>> -> memref<19x512xf32, #tpu.memory_space<hbm>>
    %dma_wait3A_619 = arith.constant 0 : i32
    %dma_wait3A_620 = arith.constant 0 : i32
    %dma_wait3A_621 = tpu.memref_slice %arg11[%dma_wait3A_619, %dma_wait3A_620] : memref<19x1024xf32, #tpu.memory_space<vmem>> -> memref<19x512xf32, #tpu.memory_space<vmem>>
    tpu.wait_dma2 semaphore(%arg15 : memref<!tpu.dma_semaphore, #tpu.memory_space<semaphore_mem>>) src(%dma_wait3A_621 : memref<19x512xf32, #tpu.memory_space<vmem>>) dst(%dma_wait3A_618 : memref<19x512xf32, #tpu.memory_space<hbm>>)
    %dma_wait3A_622 = arith.constant 0 : i32
    %dma_wait3A_623 = arith.constant 512 : i32
    %dma_wait3A_624 = tpu.memref_slice %arg11[%dma_wait3A_622, %dma_wait3A_623] : memref<19x1024xf32, #tpu.memory_space<vmem>> -> memref<19x512xf32, #tpu.memory_space<vmem>>
    %dma_wait3A_625 = arith.constant 0 : i32
    %dma_wait3A_626 = tpu.memref_slice %arg6[%dma_wait3A_625, %add3A_601] : memref<19x16384xf32, #tpu.memory_space<hbm>> -> memref<19x512xf32, #tpu.memory_space<hbm>>
    %dma_wait3A_627 = arith.constant 0 : i32
    %dma_wait3A_628 = tpu.memref_slice %arg6[%dma_wait3A_627, %add3A_601] : memref<19x16384xf32, #tpu.memory_space<hbm>> -> memref<19x512xf32, #tpu.memory_space<hbm>>
    %dma_wait3A_629 = arith.constant 0 : i32
    %dma_wait3A_630 = arith.constant 512 : i32
    %dma_wait3A_631 = tpu.memref_slice %arg11[%dma_wait3A_629, %dma_wait3A_630] : memref<19x1024xf32, #tpu.memory_space<vmem>> -> memref<19x512xf32, #tpu.memory_space<vmem>>
    tpu.wait_dma2 semaphore(%arg15 : memref<!tpu.dma_semaphore, #tpu.memory_space<semaphore_mem>>) src(%dma_wait3A_631 : memref<19x512xf32, #tpu.memory_space<vmem>>) dst(%dma_wait3A_628 : memref<19x512xf32, #tpu.memory_space<hbm>>)
    return
  }
}

</mosaic_0001>

<sc_bundles>
// kernel: kernel.3.cloned.1.call-start
scs
__scs_entry_jumppad:
0x0: {  	(pc) =	sbr.rel $0x88, $3  }
0x1: {  	(tag) =	ssettag $0x0;
	lr =	simm.s32 $0x1  }
0x2: {  	[smem:$0x3F9D] =	sst lr;
	_ =	strace $0xD0000000  }
0x3: {  	_ = 	snop  }
0x4: {  	_ = 	snop  }
0x5: {  	_ = 	snop  }
0x6: {  	_ = 	snop  }
0x7: {  	_ = 	snop  }
__scs_overlays_trampoline_lowered:
0x8: {  	[smem:$0x3FAC] =	sst s0  }
0x9: {  	[smem:$0x3FAD] =	sst s1  }
0xa: {  	[smem:$0x3FAE] =	sst s2  }
0xb: {  	[smem:$0x3FAF] =	sst s3  }
0xc: {  	[smem:$0x3FB0] =	sst s4  }
0xd: {  	[smem:$0x3FB1] =	sst s5  }
0xe: {  	[smem:$0x3FB2] =	sst s6  }
0xf: {  	[smem:$0x3FB3] =	sst s7  }
0x10: {  	[smem:$0x3FB4] =	sst s8  }
0x11: {  	[smem:$0x3FB5] =	sst s9;
	s0 =	simm.s32 @!p0 $0x0  }
0x12: {  	s1 =	sld [smem:$0x3F9B];
	s0 =	simm.s32 @p0 $0x1  }
0x13: {  	[smem:$0x3FB6] =	sst s0;
	s0 =	simm.s32 @!p1 $0x0  }
0x14: {  	s2 =	sld [smem:$0x3F9A];
	s0 =	simm.s32 @p1 $0x1  }
0x15: {  	[smem:$0x3FB7] =	sst s0;
	s0 =	simm.s32 @!p2 $0x0  }
0x16: {  	s3 =	sld [smem:$0x3FDB];
	s0 =	simm.s32 @p2 $0x1  }
0x17: {  	s4 =	simm.s32 $0x1BF5;
	[smem:$0x3FB9] =	sst s0  }
0x18: {  	s0 =	sld [smem:$0x3F9C];
	_ =	swait.ge [sflag:s4], $0x0  }
0x19: {  	s7 =	sld [smem:$0x3F9D]  }
0x1a: {  	s8 =	sadd.s32 $0xFFFFE003, lr  }
0x1b: {  	s9 =	sadd.s32 $0xFFFFFEF7, lr;
	s5 =	simm.s32 $0xFFFFFFFF;
	p2 =	slt.u32 s8, $0xFFFFF086  }
0x1c: {  	p1 =	slt.u32 s9, $0xF7A;
	s5 =	simm.s32 @!p2 $0x0  }
0x1d: {  	s5 =	simm.s32 @p1 $0x1;
	p0 =	seq.s32 s7, s2  }
0x1e: {  	s7 =	smul.u32 @!p0 $0xF7A, s2;
	p2 =	seq.s32 @!p0 s5, $0x0  }
0x1f: {  	s9 =	smul.u32 $0xF7A, s1;
	s8 =	simm.s32 @!p0 $0x1BF5;
	p2 =	por !p2, p0  }
0x20: {  	[sflag:s8] =	ssyncset.s32 @!p0 $0xFFFFF086;
	s6 =	sadd.s32 @!p0 s3, s7;
	s7 =	simm.s32 @!p0 $0x108  }
0x21: {  	s3 =	sadd.s32 s3, s9;
	s6 =	sadd.s32 @!p0 $0x88, s6;
	s7 =	simm.s32 @p2 $0x1082  }
0x22: {  	[simem:s7], [sflag:s8] =	dma.local @!p0 [hbm:s6], $0xF7A  }
0x23: {  	s9 =	sor.u32 $0xD0000000, s2;
	s6 =	simm.s32 $0x108;
	_ =	swait.ge @!p0 [sflag:s8], $0x0  }
0x24: {  	s3 =	sadd.s32 $0x88, s3;
	s6 =	simm.s32 @!p1 $0x1082;
	[sflag:s4] =	ssyncset.s32 $0xFFFFF086  }
0x25: {  	[simem:s6], [sflag:s4] =	dma.local [hbm:s3], $0xF7A  }
0x26: {  	[smem:$0x3F9D] =	sst s1;
	(tag) =	ssettag s2;
	_ =	strace s9  }
0x27: {  	s1 =	sld [smem:$0x3FAD]  }
0x28: {  	s2 =	sld [smem:$0x3FAE]  }
0x29: {  	s4 =	sld [smem:$0x3FB0]  }
0x2a: {  	p0 =	seq.s32 s5, $0x0;
	s5 =	sld [smem:$0x3FB1]  }
0x2b: {  	s6 =	sld [smem:$0x3FB2]  }
0x2c: {  	s7 =	sld [smem:$0x3FB3]  }
0x2d: {  	s3 =	simm.s32 $0x108;
	s8 =	sld [smem:$0x3FB4]  }
0x2e: {  	s3 =	simm.s32 @!p0 $0x1082;
	s9 =	sld [smem:$0x3FB5]  }
0x2f: {  	lr =	sadd.s32 s0, s3;
	s0 =	sld [smem:$0x3FAC]  }
0x30: {  	s3 =	sld [smem:$0x3FAF]  }
0x31: {  	[smem:$0x3FB8] =	sst s10  }
0x32: {  	s10 =	sld [smem:$0x3FB6];
	_ =	sdelay $0x3  }
0x33: {  	p0 =	seq.s32 s10, $0x1;
	s10 =	sld [smem:$0x3FB8];
	_ =	sdelay $0x3  }
0x34: {  	[smem:$0x3FB8] =	sst s10  }
0x35: {  	s10 =	sld [smem:$0x3FB7];
	_ =	sdelay $0x3  }
0x36: {  	p1 =	seq.s32 s10, $0x1;
	s10 =	sld [smem:$0x3FB8];
	_ =	sdelay $0x3  }
0x37: {  	[smem:$0x3FB8] =	sst s10  }
0x38: {  	s10 =	sld [smem:$0x3FB9]  }
0x39: {  	_ = 	snop;
	(pc) =	sbr.ind lr, $3  }
0x3a: {  	_ = 	snop  }
0x3b: {  	_ = 	snop  }
0x3c: {  	p2 =	seq.s32 s10, $0x1;
	s10 =	sld [smem:$0x3FB8]  }
0x3d: {  	_ =	shalt  }
0x3e: {  	_ =	shalt  }
0x3f: {  	_ =	shalt  }
0x40: {  	_ =	shalt  }
0x41: {  	_ =	shalt  }
0x42: {  	_ =	shalt  }
0x43: {  	_ =	shalt  }
0x44: {  	_ =	shalt  }
0x45: {  	_ =	shalt  }
0x46: {  	_ =	shalt  }
0x47: {  	_ =	shalt  }
0x48: {  	_ =	shalt  }
0x49: {  	_ =	shalt  }
0x4a: {  	_ =	shalt  }
0x4b: {  	_ =	shalt  }
0x4c: {  	_ =	shalt  }
0x4d: {  	_ =	shalt  }
0x4e: {  	_ =	shalt  }
0x4f: {  	_ =	shalt  }
0x50: {  	_ =	shalt  }
0x51: {  	_ =	shalt  }
0x52: {  	_ =	shalt  }
0x53: {  	_ =	shalt  }
0x54: {  	_ =	shalt  }
0x55: {  	_ =	shalt  }
0x56: {  	_ =	shalt  }
0x57: {  	_ =	shalt  }
0x58: {  	_ =	shalt  }
0x59: {  	_ =	shalt  }
0x5a: {  	_ =	shalt  }
0x5b: {  	_ =	shalt  }
0x5c: {  	_ =	shalt  }
0x5d: {  	_ =	shalt  }
0x5e: {  	_ =	shalt  }
0x5f: {  	_ =	shalt  }
0x60: {  	_ =	shalt  }
0x61: {  	_ =	shalt  }
0x62: {  	_ =	shalt  }
0x63: {  	_ =	shalt  }
0x64: {  	_ =	shalt  }
0x65: {  	_ =	shalt  }
0x66: {  	_ =	shalt  }
0x67: {  	_ =	shalt  }
0x68: {  	_ =	shalt  }
0x69: {  	_ =	shalt  }
0x6a: {  	_ =	shalt  }
0x6b: {  	_ =	shalt  }
0x6c: {  	_ =	shalt  }
0x6d: {  	_ =	shalt  }
0x6e: {  	_ =	shalt  }
0x6f: {  	_ =	shalt  }
0x70: {  	_ =	shalt  }
0x71: {  	_ =	shalt  }
0x72: {  	_ =	shalt  }
0x73: {  	_ =	shalt  }
0x74: {  	_ =	shalt  }
0x75: {  	_ =	shalt  }
0x76: {  	_ =	shalt  }
0x77: {  	_ =	shalt  }
0x78: {  	_ =	shalt  }
0x79: {  	_ =	shalt  }
0x7a: {  	_ =	shalt  }
0x7b: {  	_ =	shalt  }
0x7c: {  	_ =	shalt  }
0x7d: {  	_ =	shalt  }
0x7e: {  	_ =	shalt  }
0x7f: {  	_ =	shalt  }
0x80: {  	_ =	shalt  }
0x81: {  	_ =	shalt  }
0x82: {  	_ =	shalt  }
0x83: {  	_ =	shalt  }
0x84: {  	_ =	shalt  }
0x85: {  	_ =	shalt  }
0x86: {  	_ =	shalt  }
0x87: {  	_ =	shalt  }
.Lfunc_end0:
.L_simem_size_0:
called_computation_lowered:
.L_overlay_start_0:
0x88: {  	s0 =	sld [smem:$0x3FD9]  }
0x89: {  	s1 =	sld [smem:$0x3FFE];
	_ =	sdelay $0x3  }
0x8a: {  	s0 =	sadd.s32 s1, s0  }
0x8b: {  	[smem:$0x3FC4] =	sst s0  }
0x8c: {  	_ = 	snop  }
0x8d: {  	s0 =	sld [smem:$0x3FC9]  }
0x8e: {  	s17 =	sld [smem:$0x3FC8]  }
0x8f: {  	s2 =	sld [smem:$0x3FC7]  }
0x90: {  	s3 =	sld [smem:$0x3FC6]  }
0x91: {  	s4 =	sld [smem:$0x3FD0];
	(tm) =	ssettm $0x1  }
0x92: {  	s5 =	sld [smem:$0x3FFB];
	_ =	sdelay $0x3  }
0x93: {  	_ =	strace s5  }
0x94: {  	s5 =	sld [smem:$0x3FFC];
	_ =	sdelay $0x3  }
0x95: {  	_ =	strace s5  }
0x96: {  	s5 =	sld [smem:$0x3FFD];
	_ =	sdelay $0x3  }
0x97: {  	_ =	strace s5  }
0x98: {  	_ =	strace $0x8FFFFFFF  }
0x99: {  	s18 =	sld [smem:$0x3FDB];
	_ =	sdelay $0x1  }
0x9a: {  	s6 =	simm.s32 $_scs_section_size  }
0x9b: {  	s7 =	simm.s32 $_size__tile_overlayer_lowered;
	s8 =	simm.s32 $_tile_overlayer_lowered  }
0x9c: {  	s21 =	simm.s32 $0x1BFF;
	s20 =	sshll.u32 s8, $0x1;
	s5 =	sadd.s32 s6, s18  }
0x9d: {  	s9 =	simm.s32 $0x0;
	s19 =	sshll.u32 s7, $0x1;
	s7 =	sadd.s32 s20, s5  }
0x9e: {  	[timem:s9], [sflag:s21] =	dma.local [hbm:s7], s19  }
0x9f: {  	_ =	swait.ge [sflag:s21], s19  }
0xa0: {  	s6 =	ssub.s32 $0x0, s19;
	[sflag:s21] =	ssyncset.done $0x0  }
0xa1: {  	[sflag:s21] =	ssyncadd.s32 s6;
	_ =	sdelay $0x1  }
0xa2: {  	s22 =	simm.s32 $0x1B8B  }
0xa3: {  	_ =	swait.ge [sflag:s22], $0x1  }
0xa4: {  	[sflag:s22] =	ssyncset.done $0x0  }
0xa5: {  	s23 =	simm.s32 $0x1B8E;
	[sflag:s22] =	ssyncadd.s32 $0xFFFFFFFF  }
0xa6: {  	s24 =	simm.s32 $execute0_lowered;
	[smem:$0x3FD2] =	sst s23  }
0xa7: {  	s6 =	sshll.u32 s24, $0x1;
	_ =	strace $0x80000046;
	[dreg:$0x1] =	wrdreg $0xFFFFFFFF  }
0xa8: {  	s25 =	simm.s32 $_size_execute0_lowered;
	s5 =	sadd.s32 s5, s6;
	[dreg:$0x0] =	wrdreg $0x0  }
0xa9: {  	s6 =	sshll.u32 s25, $0x1;
	[dreg:$0x2] =	wrdreg s5  }
0xaa: {  	[dreg:$0x3] =	wrdreg s6  }
0xab: {  	[dreg:$0x4] =	wrdreg $0xC0  }
0xac: {  	_ =	task [dreg:s9], $0x5FFFF  }
0xad: {  	[dreg:$0x1] =	wrdreg $0xFFFFFFFF  }
0xae: {  	[dreg:$0x0] =	wrdreg $0x60  }
0xaf: {  	[dreg:$0x2] =	wrdreg s0  }
0xb0: {  	[dreg:$0x3] =	wrdreg s17  }
0xb1: {  	[dreg:$0x4] =	wrdreg s2  }
0xb2: {  	[dreg:$0x5] =	wrdreg s3  }
0xb3: {  	[dreg:$0x6] =	wrdreg s4  }
0xb4: {  	[dreg:$0x7] =	wrdreg $0x9  }
0xb5: {  	_ =	task.clear_ibuf [dreg:s9], $0x8FFFF;
	_ =	strace $0x90000046  }
0xb6: {  	s26 =	simm.s32 $0x9;
	_ =	strace $0x80000048  }
0xb7: {  	_ =	swait.ge [sflag:s26], $0x1  }
0xb8: {  	[sflag:s26] =	ssyncadd.s32 $0xFFFFFFFF  }
0xb9: {  	_ =	strace $0x90000048  }
0xba: {  	_ =	sfence  }
0xbb: {  	s28 =	sld [smem:$0x0];
	_ =	sdelay $0x1  }
0xbc: {  	s29 =	srdreg.scid  }
0xbd: {  	s30 =	sshll.u32 s29, $0xD;
	s31 =	sshrl.u32 s29, $0x2  }
0xbe: {  	s1 =	sand.u32 $0x1, s29;
	s2 =	sand.u32 $0x4000, s30;
	s0 =	sadd.s32 s31, s28  }
0xbf: {  	s1 =	sor.u32 s2, s1;
	s0 =	sshll.u32 s0, $0x11  }
0xc0: {  	s0 =	sor.u32 s0, s1  }
0xc1: {  	s0 =	sadd.s32 $0x8F2B, s0  }
0xc2: {  	[sflag:s0] =	ssyncadd.remote.s32 $0x1  }
0xc3: {  	_ =	sfence.sel $0xFFFF  }
0xc4: {  	[dreg:$0x0] =	wrdreg $0xFFFFFFFF;
	(pc) =	sbr.abs _section_cstart, $3  }
0xc5: {  	[dreg:$0x1] =	wrdreg $0xFFFFFFFF  }
0xc6: {  	_ =	task.clear_ibuf [dreg:s9], $0x2FFFF;
	_ =	strace $0x9FFFFFFF  }
0xc7: {  	(tm) =	ssettm $0x7FFFFFFF  }
tec
execute0_lowered:
.L_overlay_start_1:
0x0: {  	(tag) =	ssettag $0x1  }
0x1: {  	s4 =	rddreg [dreg:$0x0]  }
0x2: {  	s5 =	rddreg [dreg:$0x1]  }
0x3: {  	s6 =	rddreg [dreg:$0x2]  }
0x4: {  	s7 =	rddreg [dreg:$0x3]  }
0x5: {  	s2 =	rddreg [dreg:$0x4];
	s3 =	simm.s32 $0x0  }
0x6: {  	[smem:$0x7FF] =	sst s3  }
0x7: {  	s0 =	rddreg [dreg:$0x5];
	v0 =	vimm.f32 $2.000000000e+01;
	_ =	strace $0x80000047  }
0x8: {  	s1 =	stileid.u32;
	(erf) = vrcp.f32 v0  }
0x9: {  	s8 =	sshll.u32 s1, $0x8  }
0xa: {  	s4 =	sadd.s32 s4, s8  }
0xb: {  	[tilespmem:s3], [sflag:$0x1] =	stream.linear.gather [hbm4b:s4+s3], $0x800, $0x38;
	[tilespmem:$0x8880] =	vst v63  }
0xc: {  	s28 =	simm.s32 $0x800  }
0xd: {  	[tilespmem:s28], [sflag:$0x1] =	stream.linear.gather [hbm4b:s5+s3], $0xA80, $0x38;
	[tilespmem:$0x8880] =	vst v63  }
0xe: {  	s29 =	simm.s32 $0x1400  }
0xf: {  	[tilespmem:s29], [sflag:$0x1] =	stream.linear.gather [hbm4b:s6+s3], $0xA80, $0x38;
	[tilespmem:$0x8880] =	vst v63  }
0x10: {  	s30 =	simm.s32 $0x2000;
	s31 =	simm.s32 $0x1  }
0x11: {  	[tilespmem:s30], [sflag:$0x1] =	stream.linear.gather [hbm4b:s7+s3], $0x300, $0x38;
	v0 =	vpop (erf);
	[tilespmem:$0x8880] =	vst v63  }
0x12: {  	_ =	swait.ge [sflag:s31], $0x800  }
0x13: {  	[sflag:s31] =	ssyncset.done $0x0  }
0x14: {  	[sflag:s31] =	ssyncadd.s32 $0xFFFFF800  }
0x15: {  	_ =	swait.ge [sflag:s31], $0xA80  }
0x16: {  	[sflag:s31] =	ssyncset.done $0x0  }
0x17: {  	[sflag:s31] =	ssyncadd.s32 $0xFFFFF580  }
0x18: {  	_ =	swait.ge [sflag:s31], $0xA80  }
0x19: {  	[sflag:s31] =	ssyncset.done $0x0  }
0x1a: {  	[sflag:s31] =	ssyncadd.s32 $0xFFFFF580  }
0x1b: {  	_ =	swait.ge [sflag:s31], $0x300  }
0x1c: {  	[sflag:s31] =	ssyncset.done $0x0  }
0x1d: {  	[sflag:s31] =	ssyncadd.s32 $0xFFFFFD00  }
0x1e: {  	v1 =	vld [tilespmem:$0x800]  }
0x1f: {  	v2 =	vld [tilespmem:$0x805]  }
0x20: {  	v3 =	vld [tilespmem:$0x880]  }
0x21: {  	v5 =	vld [tilespmem:$0x900]  }
0x22: {  	v24 =	vld [tilespmem:$0xA00]  }
0x23: {  	[tilespmem:$0x8400] =	vst v1;
	v1 =	vld [tilespmem:$0x905]  }
0x24: {  	[tilespmem:$0x8405] =	vst v2;
	v2 =	vld [tilespmem:$0x980]  }
0x25: {  	[tilespmem:$0x8415] =	vst v3;
	v3 =	vld [tilespmem:$0x985]  }
0x26: {  	v27 =	vld [tilespmem:$0xB80];
	[tilespmem:$0x842A] =	vst v5  }
0x27: {  	v28 =	vld [tilespmem:$0xC80];
	[tilespmem:$0x8454] =	vst v24  }
0x28: {  	[tilespmem:$0x842F] =	vst v1;
	v1 =	vld [tilespmem:$0xA80]  }
0x29: {  	[tilespmem:$0x843F] =	vst v2;
	v2 =	vld [tilespmem:$0xA85]  }
0x2a: {  	[tilespmem:$0x8444] =	vst v3;
	v3 =	vld [tilespmem:$0xB00]  }
0x2b: {  	v31 =	vld [tilespmem:$0xE00];
	[tilespmem:$0x8493] =	vst v27  }
0x2c: {  	v32 =	vld [tilespmem:$0xF00];
	[tilespmem:$0x84BD] =	vst v28  }
0x2d: {  	[tilespmem:$0x8469] =	vst v1;
	v1 =	vld [tilespmem:$0xB85]  }
0x2e: {  	[tilespmem:$0x846E] =	vst v2;
	v2 =	vld [tilespmem:$0xC00]  }
0x2f: {  	[tilespmem:$0x847E] =	vst v3;
	v3 =	vld [tilespmem:$0xC05]  }
0x30: {  	v35 =	vld [tilespmem:$0x1080];
	[tilespmem:$0x84FC] =	vst v31  }
0x31: {  	v36 =	vld [tilespmem:$0x1180];
	[tilespmem:$0x8526] =	vst v32  }
0x32: {  	[tilespmem:$0x8498] =	vst v1;
	v1 =	vld [tilespmem:$0xD00]  }
0x33: {  	[tilespmem:$0x84A8] =	vst v2;
	v2 =	vld [tilespmem:$0xD05]  }
0x34: {  	[tilespmem:$0x84AD] =	vst v3;
	v3 =	vld [tilespmem:$0xD80]  }
0x35: {  	v39 =	vld [tilespmem:$0x1480];
	[tilespmem:$0x8565] =	vst v35  }
0x36: {  	v40 =	vld [tilespmem:$0x1580];
	[tilespmem:$0x858F] =	vst v36  }
0x37: {  	[tilespmem:$0x84D2] =	vst v1;
	v1 =	vld [tilespmem:$0xE05]  }
0x38: {  	[tilespmem:$0x84D7] =	vst v2;
	v2 =	vld [tilespmem:$0xE80]  }
0x39: {  	[tilespmem:$0x84E7] =	vst v3;
	v3 =	vld [tilespmem:$0xE85]  }
0x3a: {  	v43 =	vld [tilespmem:$0x1700];
	[tilespmem:$0x8615] =	vst v39  }
0x3b: {  	v44 =	vld [tilespmem:$0x1800];
	[tilespmem:$0x863F] =	vst v40  }
0x3c: {  	[tilespmem:$0x8501] =	vst v1;
	v1 =	vld [tilespmem:$0xF80]  }
0x3d: {  	[tilespmem:$0x8511] =	vst v2;
	v2 =	vld [tilespmem:$0xF85]  }
0x3e: {  	[tilespmem:$0x8516] =	vst v3;
	v3 =	vld [tilespmem:$0x1000]  }
0x3f: {  	v47 =	vld [tilespmem:$0x1980];
	[tilespmem:$0x867E] =	vst v43  }
0x40: {  	v48 =	vld [tilespmem:$0x1A80];
	[tilespmem:$0x86A8] =	vst v44  }
0x41: {  	[tilespmem:$0x853B] =	vst v1;
	v1 =	vld [tilespmem:$0x1085]  }
0x42: {  	[tilespmem:$0x8540] =	vst v2;
	v2 =	vld [tilespmem:$0x1100]  }
0x43: {  	[tilespmem:$0x8550] =	vst v3;
	v3 =	vld [tilespmem:$0x1105]  }
0x44: {  	v51 =	vld [tilespmem:$0x1C00];
	[tilespmem:$0x86E7] =	vst v47  }
0x45: {  	v52 =	vld [tilespmem:$0x1D00];
	[tilespmem:$0x8711] =	vst v48  }
0x46: {  	[tilespmem:$0x856A] =	vst v1;
	v1 =	vld [tilespmem:$0x1200]  }
0x47: {  	[tilespmem:$0x857A] =	vst v2;
	v2 =	vld [tilespmem:$0x1205]  }
0x48: {  	[tilespmem:$0x857F] =	vst v3;
	v3 =	vld [tilespmem:$0x1400]  }
0x49: {  	v4 =	vld [tilespmem:$0x885];
	[tilespmem:$0x8750] =	vst v51  }
0x4a: {  	v25 =	vld [tilespmem:$0xA05];
	[tilespmem:$0x877A] =	vst v52  }
0x4b: {  	[tilespmem:$0x85A4] =	vst v1;
	v1 =	vld [tilespmem:$0x1485]  }
0x4c: {  	[tilespmem:$0x85A9] =	vst v2;
	v2 =	vld [tilespmem:$0x1500]  }
0x4d: {  	[tilespmem:$0x8600] =	vst v3;
	v3 =	vld [tilespmem:$0x1505]  }
0x4e: {  	v29 =	vld [tilespmem:$0xC85];
	[tilespmem:$0x841A] =	vst v4  }
0x4f: {  	v33 =	vld [tilespmem:$0xF05];
	[tilespmem:$0x8459] =	vst v25  }
0x50: {  	[tilespmem:$0x861A] =	vst v1;
	v1 =	vld [tilespmem:$0x1600]  }
0x51: {  	[tilespmem:$0x862A] =	vst v2;
	v2 =	vld [tilespmem:$0x1605]  }
0x52: {  	[tilespmem:$0x862F] =	vst v3;
	v3 =	vld [tilespmem:$0x1680]  }
0x53: {  	v37 =	vld [tilespmem:$0x1185];
	[tilespmem:$0x84C2] =	vst v29  }
0x54: {  	v41 =	vld [tilespmem:$0x1585];
	[tilespmem:$0x852B] =	vst v33  }
0x55: {  	[tilespmem:$0x8654] =	vst v1;
	v1 =	vld [tilespmem:$0x1705]  }
0x56: {  	[tilespmem:$0x8659] =	vst v2;
	v2 =	vld [tilespmem:$0x1780]  }
0x57: {  	[tilespmem:$0x8669] =	vst v3;
	v3 =	vld [tilespmem:$0x1785]  }
0x58: {  	v45 =	vld [tilespmem:$0x1805];
	[tilespmem:$0x8594] =	vst v37  }
0x59: {  	v49 =	vld [tilespmem:$0x1A85];
	[tilespmem:$0x8644] =	vst v41  }
0x5a: {  	[tilespmem:$0x8683] =	vst v1;
	v1 =	vld [tilespmem:$0x1880]  }
0x5b: {  	[tilespmem:$0x8693] =	vst v2;
	v2 =	vld [tilespmem:$0x1885]  }
0x5c: {  	[tilespmem:$0x8698] =	vst v3;
	v3 =	vld [tilespmem:$0x1900]  }
0x5d: {  	v53 =	vld [tilespmem:$0x1D05];
	[tilespmem:$0x86AD] =	vst v45  }
0x5e: {  	v26 =	vld [tilespmem:$0xB05];
	[tilespmem:$0x8716] =	vst v49  }
0x5f: {  	[tilespmem:$0x86BD] =	vst v1;
	v1 =	vld [tilespmem:$0x1985]  }
0x60: {  	[tilespmem:$0x86C2] =	vst v2;
	v2 =	vld [tilespmem:$0x1A00]  }
0x61: {  	[tilespmem:$0x86D2] =	vst v3;
	v3 =	vld [tilespmem:$0x1A05]  }
0x62: {  	v30 =	vld [tilespmem:$0xD85];
	[tilespmem:$0x877F] =	vst v53  }
0x63: {  	v34 =	vld [tilespmem:$0x1005];
	[tilespmem:$0x8483] =	vst v26  }
0x64: {  	[tilespmem:$0x86EC] =	vst v1;
	v1 =	vld [tilespmem:$0x1B00]  }
0x65: {  	[tilespmem:$0x86FC] =	vst v2;
	v2 =	vld [tilespmem:$0x1B05]  }
0x66: {  	[tilespmem:$0x8701] =	vst v3;
	v3 =	vld [tilespmem:$0x1B80]  }
0x67: {  	v38 =	vld [tilespmem:$0x1405];
	[tilespmem:$0x84EC] =	vst v30  }
0x68: {  	v42 =	vld [tilespmem:$0x1685];
	[tilespmem:$0x8555] =	vst v34  }
0x69: {  	[tilespmem:$0x8726] =	vst v1;
	v1 =	vld [tilespmem:$0x1C05]  }
0x6a: {  	[tilespmem:$0x872B] =	vst v2;
	v2 =	vld [tilespmem:$0x1C80]  }
0x6b: {  	[tilespmem:$0x873B] =	vst v3;
	v3 =	vld [tilespmem:$0x1C85]  }
0x6c: {  	v46 =	vld [tilespmem:$0x1905];
	[tilespmem:$0x8605] =	vst v38  }
0x6d: {  	v6 =	vimm.s32 $0x55543210;
	v50 =	vld [tilespmem:$0x1B85];
	[tilespmem:$0x866E] =	vst v42  }
0x6e: {  	v6 =	vunpack.c.l.s4.s8 v6;
	[tilespmem:$0x8755] =	vst v1;
	v1 =	vld [tilespmem:$0x1D80]  }
0x6f: {  	[tilespmem:$0x8765] =	vst v2;
	v2 =	vld [tilespmem:$0x1D85]  }
0x70: {  	v6 =	vunpack.c.0.s8.s32 v6;
	[tilespmem:$0x876A] =	vst v3;
	v3 =	vld [tilespmem:$0x1E00]  }
0x71: {  	vm0 =	vcmask $0x1F00;
	v54 =	vld [tilespmem:$0x1E05];
	[tilespmem:$0x86D7] =	vst v46  }
0x72: {  	v55 =	vnsel vm0, $0x5, v6;
	[tilespmem:$0x8740] =	vst v50  }
0x73: {  	[tilespmem:$0x878F] =	vst v1;
	v1 =	vimm.s32 $0x83828180  }
0x74: {  	[tilespmem:$0x8794] =	vst v2;
	v1 =	vunpack.c.0.s8.s32 v1  }
0x75: {  	[tilespmem:$0x87A4] =	vst v3  }
0x76: {  	vm14 =	vcmask $0xF00;
	[tilespmem:$0x87A9] =	vst v54;
	v1 =	vand.u32 $0xFF, v1  }
0x77: {  	vm15 =	vcmask $0x1310;
	v3 =	vlaneseq.u32;
	v2 =	vld.idx.msk [tilespmem:v55+s30+$0x0], $0xffff;
	v1 =	vnsel vm14, $0x85, v1  }
0x78: {  	v1 =	vsel vm15, $0x84, v1  }
0x79: {  	v56 =	vimm.s32 $0x105;
	vm1 =	vcmask $0x300  }
0x7a: {  	vm2 =	vcmask $0x704;
	v4 =	vsel vm1, $0x100, v56  }
0x7b: {  	vm3 =	vcmask $0xB08;
	s4 =	simm.s32 $0x8800;
	v4 =	vsel vm2, $0x101, v4  }
0x7c: {  	vm4 =	vcmask $0xF0C;
	[tilespmem:v3+s4+$0x0] =	vst.idx.msk $0x3f, v2;
	v2 =	vsel vm3, $0x102, v4  }
0x7d: {  	v57 =	vadd.s32 $0x6, v3;
	v1 =	vld.idx.msk [tilespmem:v1+s30+$0x0], $0xffff;
	v2 =	vsel vm4, $0x103, v2  }
0x7e: {  	v2 =	vsel vm15, $0x104, v2  }
0x7f: {  	v58 =	vimm.s32 $0x185  }
0x80: {  	v5 =	vsel vm1, $0x180, v58  }
0x81: {  	v5 =	vsel vm2, $0x181, v5  }
0x82: {  	[tilespmem:v57+s4+$0x0] =	vst.idx.msk $0x3f, v1;
	v1 =	vsel vm3, $0x182, v5  }
0x83: {  	v59 =	vadd.s32 $0xC, v3;
	v2 =	vld.idx.msk [tilespmem:v2+s30+$0x0], $0xffff;
	v1 =	vsel vm4, $0x183, v1  }
0x84: {  	v1 =	vsel vm15, $0x184, v1  }
0x85: {  	v60 =	vimm.s32 $0x205  }
0x86: {  	v5 =	vsel vm1, $0x200, v60  }
0x87: {  	v5 =	vsel vm2, $0x201, v5  }
0x88: {  	[tilespmem:v59+s4+$0x0] =	vst.idx.msk $0x3f, v2;
	v2 =	vsel vm3, $0x202, v5  }
0x89: {  	v61 =	vadd.s32 $0x12, v3;
	v1 =	vld.idx.msk [tilespmem:v1+s30+$0x0], $0xffff;
	v2 =	vsel vm4, $0x203, v2  }
0x8a: {  	v2 =	vsel vm15, $0x204, v2  }
0x8b: {  	v62 =	vimm.s32 $0x285  }
0x8c: {  	v5 =	vsel vm1, $0x280, v62  }
0x8d: {  	v5 =	vsel vm2, $0x281, v5  }
0x8e: {  	[tilespmem:v61+s4+$0x0] =	vst.idx.msk $0x3f, v1;
	v1 =	vsel vm3, $0x282, v5  }
0x8f: {  	v63 =	vadd.s32 $0x18, v3;
	v2 =	vld.idx.msk [tilespmem:v2+s30+$0x0], $0xffff;
	v1 =	vsel vm4, $0x283, v1  }
0x90: {  	v1 =	vsel vm15, $0x284, v1;
	_ =	sdelay $0x3  }
0x91: {  	[tilespmem:v63+s4+$0x0] =	vst.idx.msk $0x3f, v2  }
0x92: {  	v2 =	vadd.s32 $0x1E, v3;
	v1 =	vld.idx.msk [tilespmem:v1+s30+$0x0], $0xffff;
	_ =	sdelay $0x4  }
0x93: {  	s5 =	simm.s32 $0x8400;
	s6 =	simm.s32 $0x8600;
	s7 =	simm.s32 $0x0;
	[tilespmem:v2+s4+$0x0] =	vst.idx.msk $0x3f, v1  }
.LBB2_1:
0x94: {  	s10 =	sshll.u32 s7, $0x8  }
0x95: {  	s8 =	sshra.s32 s10, $0x2  }
0x96: {  	s9 =	sand.u32 $0x60, s3;
	s8 =	sand.u32 $0xFFFFFF00, s8  }
0x97: {  	s11 =	sor.u32 s9, s8  }
0x98: {  	v1 =	vld [tilespmem:s11+$0x0];
	_ =	sdelay $0x1  }
0x99: {  	v2 =	vld [tilespmem:s11+$0x80];
	_ =	sdelay $0x2  }
0x9a: {  	v3 =	vmul.f32 $2.000000000e+01, v1;
	_ =	sdelay $0x1  }
0x9b: {  	v4 =	vmul.f32 $2.000000000e+01, v2;
	v3 =	vtrunc.f32 v3  }
0x9c: {  	v3 =	vcvt.f32.s32 v3  }
0x9d: {  	v4 =	vtrunc.f32 v4  }
0x9e: {  	v4 =	vcvt.f32.s32 v4;
	v5 =	vshra.s32 v3, $0x2  }
0x9f: {  	v6 =	vmul.u32 $0x15, v3;
	v5 =	vmul.u32 $0x6, v5  }
0xa0: {  	v7 =	vshra.s32 v4, $0x2  }
0xa1: {  	v6 =	vadd.s32 v4, v6;
	v8 =	vadd.s32 v7, v5  }
0xa2: {  	v11 =	vadd.s32 $0x1E, v7;
	v9 =	vadd.s32 $0xFFFFFFFA, v8  }
0xa3: {  	v12 =	vadd.s32 $0x5, v5;
	v10 =	vadd.s32 $0x6, v8;
	vm0 =	vgt.s32 v9, v7  }
0xa4: {  	v32 =	vadd.s32 $0xFFFFFFFF, v8;
	vm1 =	vlt.s32 v10, v11;
	v7 =	vsel vm0, v9, v7  }
0xa5: {  	v33 =	vadd.s32 $0x1, v8;
	vm6 =	vgt.s32 v32, v5;
	v31 =	vsel vm1, v10, v11  }
0xa6: {  	vm7 =	vlt.s32 v33, v12;
	v5 =	vsel vm6, v32, v5;
	v13 =	vld.idx.msk [tilespmem:v6+s5+$0x0], $0xffff  }
0xa7: {  	v34 =	vsel vm7, v33, v12;
	v6 =	vld.idx.msk [tilespmem:v6+s6+$0x0], $0xffff  }
0xa8: {  	v8 =	vld.idx.msk [tilespmem:v8+s4+$0x0], $0xffff  }
0xa9: {  	s21 =	sand.u32 $0x3FFFFC00, s10;
	v7 =	vld.idx.msk [tilespmem:v7+s4+$0x0], $0xffff  }
0xaa: {  	s10 =	sadd.s32 $0x2400, s21;
	v9 =	vld.idx.msk [tilespmem:v31+s4+$0x0], $0xffff  }
0xab: {  	s22 =	sor.u32 s9, s10;
	v5 =	vld.idx.msk [tilespmem:v5+s4+$0x0], $0xffff  }
0xac: {  	v35 =	vsub.f32 $9.499999880e-01, v1;
	v10 =	vld.idx.msk [tilespmem:v34+s4+$0x0], $0xffff;
	[tilespmem:s22+$0x0] =	vst v1  }
0xad: {  	v36 =	vsub.f32 $9.499999880e-01, v2;
	[tilespmem:s22+$0x80] =	vst v2  }
0xae: {  	[tilespmem:s22+$0x100] =	vst v35  }
0xaf: {  	[tilespmem:s22+$0x180] =	vst v36  }
0xb0: {  	[tilespmem:s22+$0x380] =	vst v1  }
0xb1: {  	[tilespmem:s22+$0x200] =	vst v13  }
0xb2: {  	s12 =	sadd.s32 $0x4400, s21;
	v37 =	vsub.f32 $1.000000000e+00, v1;
	[tilespmem:s22+$0x280] =	vst v6  }
0xb3: {  	s13 =	sor.u32 s9, s12;
	s11 =	sadd.s32 $0x4480, s21;
	[tilespmem:s22+$0x300] =	vst v8  }
0xb4: {  	s14 =	sor.u32 s9, s11;
	v38 =	vsub.f32 $1.000000000e+00, v2;
	v1 =	vand.u32 $0x3, v3;
	[tilespmem:s13+$0x0] =	vst v37;
	s13 =	sadd.s32 $0x4500, s21  }
0xb5: {  	s23 =	sadd.s32 $0x4580, s21;
	v39 =	vand.u32 $0x3, v4;
	v1 =	vcvt.s32.f32 v1;
	[tilespmem:s14+$0x0] =	vst v2;
	s15 =	sor.u32 s9, s13  }
0xb6: {  	s24 =	sadd.s32 $0x4600, s21;
	s16 =	sor.u32 s9, s23;
	v2 =	vcvt.s32.f32 v39;
	[tilespmem:s15+$0x0] =	vst v38  }
0xb7: {  	s25 =	sadd.s32 $0x4680, s21;
	s17 =	sor.u32 s9, s24;
	v40 =	vsub.f32 $4.000000000e+00, v1;
	[tilespmem:s16+$0x0] =	vst v7  }
0xb8: {  	s26 =	sadd.s32 $0x4700, s21;
	s18 =	sor.u32 s9, s25;
	v1 =	vmul.f32 v1, v0;
	v41 =	vsub.f32 $4.000000000e+00, v2;
	[tilespmem:s17+$0x0] =	vst v9  }
0xb9: {  	s28 =	sadd.s32 $0x4780, s21;
	s19 =	sor.u32 s9, s26;
	vm8 =	veq.s32 v3, $0x14;
	v3 =	vmul.f32 v40, v0;
	[tilespmem:s18+$0x0] =	vst v5  }
0xba: {  	s20 =	sor.u32 s9, s28;
	v1 =	vsel vm8, $0x3E4CCCCD, v1;
	v42 =	vmul.f32 v41, v0;
	[tilespmem:s19+$0x0] =	vst v10;
	s19 =	sadd.s32 $0x6400, s21  }
0xbb: {  	vm9 =	veq.s32 v4, $0x14;
	v2 =	vmul.f32 v2, v0;
	v3 =	vsel vm8, $0x0, v3;
	[tilespmem:s20+$0x0] =	vst v1;
	s22 =	sor.u32 s9, s19;
	s20 =	sadd.s32 $0x6480, s21  }
0xbc: {  	v1 =	vsel vm9, $0x0, v42;
	s21 =	sadd.s32 $0x6500, s21;
	[tilespmem:s22+$0x0] =	vst v3;
	s29 =	sor.u32 s9, s20  }
0xbd: {  	v2 =	vsel vm9, $0x3E4CCCCD, v2;
	s30 =	sor.u32 s9, s21;
	s9 =	sor.u32 $0x10, s9;
	[tilespmem:s29+$0x0] =	vst v1  }
0xbe: {  	s8 =	sor.u32 s9, s8;
	[tilespmem:s30+$0x0] =	vst v2  }
0xbf: {  	v1 =	vld [tilespmem:s8+$0x0];
	_ =	sdelay $0x1  }
0xc0: {  	v2 =	vld [tilespmem:s8+$0x80];
	_ =	sdelay $0x2  }
0xc1: {  	v3 =	vmul.f32 $2.000000000e+01, v1;
	_ =	sdelay $0x1  }
0xc2: {  	v43 =	vmul.f32 $2.000000000e+01, v2;
	v3 =	vtrunc.f32 v3  }
0xc3: {  	v3 =	vcvt.f32.s32 v3  }
0xc4: {  	v4 =	vtrunc.f32 v43  }
0xc5: {  	v4 =	vcvt.f32.s32 v4;
	v44 =	vshra.s32 v3, $0x2  }
0xc6: {  	v45 =	vmul.u32 $0x15, v3;
	v5 =	vmul.u32 $0x6, v44  }
0xc7: {  	v46 =	vshra.s32 v4, $0x2  }
0xc8: {  	v6 =	vadd.s32 v4, v45;
	v47 =	vadd.s32 v46, v5  }
0xc9: {  	v50 =	vadd.s32 $0x1E, v46;
	v48 =	vadd.s32 $0xFFFFFFFA, v47  }
0xca: {  	v54 =	vadd.s32 $0x5, v5;
	v49 =	vadd.s32 $0x6, v47;
	vm10 =	vgt.s32 v48, v46  }
0xcb: {  	v52 =	vadd.s32 $0xFFFFFFFF, v47;
	vm11 =	vlt.s32 v49, v50;
	v7 =	vsel vm10, v48, v46  }
0xcc: {  	v53 =	vadd.s32 $0x1, v47;
	vm12 =	vgt.s32 v52, v5;
	v51 =	vsel vm11, v49, v50  }
0xcd: {  	vm13 =	vlt.s32 v53, v54;
	v5 =	vsel vm12, v52, v5;
	v13 =	vld.idx.msk [tilespmem:v6+s5+$0x0], $0xffff  }
0xce: {  	v55 =	vsel vm13, v53, v54;
	v6 =	vld.idx.msk [tilespmem:v6+s6+$0x0], $0xffff  }
0xcf: {  	v8 =	vld.idx.msk [tilespmem:v47+s4+$0x0], $0xffff  }
0xd0: {  	v7 =	vld.idx.msk [tilespmem:v7+s4+$0x0], $0xffff  }
0xd1: {  	v9 =	vld.idx.msk [tilespmem:v51+s4+$0x0], $0xffff  }
0xd2: {  	s31 =	sor.u32 s9, s10;
	v5 =	vld.idx.msk [tilespmem:v5+s4+$0x0], $0xffff  }
0xd3: {  	v56 =	vsub.f32 $9.499999880e-01, v1;
	v10 =	vld.idx.msk [tilespmem:v55+s4+$0x0], $0xffff;
	[tilespmem:s31+$0x0] =	vst v1  }
0xd4: {  	v57 =	vsub.f32 $9.499999880e-01, v2;
	[tilespmem:s31+$0x80] =	vst v2  }
0xd5: {  	[tilespmem:s31+$0x100] =	vst v56  }
0xd6: {  	[tilespmem:s31+$0x180] =	vst v57  }
0xd7: {  	[tilespmem:s31+$0x380] =	vst v1  }
0xd8: {  	[tilespmem:s31+$0x200] =	vst v13  }
0xd9: {  	v58 =	vsub.f32 $1.000000000e+00, v1;
	[tilespmem:s31+$0x280] =	vst v6  }
0xda: {  	s10 =	sor.u32 s9, s12;
	[tilespmem:s31+$0x300] =	vst v8  }
0xdb: {  	s12 =	sor.u32 s9, s11;
	v59 =	vsub.f32 $1.000000000e+00, v2;
	v1 =	vand.u32 $0x3, v3;
	[tilespmem:s10+$0x0] =	vst v58  }
0xdc: {  	s22 =	sor.u32 s9, s13;
	v60 =	vand.u32 $0x3, v4;
	v1 =	vcvt.s32.f32 v1;
	[tilespmem:s12+$0x0] =	vst v2  }
0xdd: {  	s23 =	sor.u32 s9, s23;
	v2 =	vcvt.s32.f32 v60;
	[tilespmem:s22+$0x0] =	vst v59  }
0xde: {  	s24 =	sor.u32 s9, s24;
	v61 =	vsub.f32 $4.000000000e+00, v1;
	[tilespmem:s23+$0x0] =	vst v7  }
0xdf: {  	s25 =	sor.u32 s9, s25;
	v1 =	vmul.f32 v1, v0;
	v62 =	vsub.f32 $4.000000000e+00, v2;
	[tilespmem:s24+$0x0] =	vst v9  }
0xe0: {  	p0 =	sne.s32 s7, $0xF;
	s26 =	sor.u32 s9, s26;
	vm14 =	veq.s32 v3, $0x14;
	v3 =	vmul.f32 v61, v0;
	[tilespmem:s25+$0x0] =	vst v5  }
.Ltmp0:
0xe1: {  	s28 =	sor.u32 s9, s28;
	v1 =	vsel vm14, $0x3E4CCCCD, v1;
	v63 =	vmul.f32 v62, v0;
	[tilespmem:s26+$0x0] =	vst v10;
	(pc) =	sbr.rel @p0 .LBB2_1-.Ltmp0, $4  }
0xe2: {  	s29 =	sor.u32 s9, s19;
	vm15 =	veq.s32 v4, $0x14;
	v2 =	vmul.f32 v2, v0;
	v3 =	vsel vm14, $0x0, v3;
	[tilespmem:s28+$0x0] =	vst v1  }
0xe3: {  	s30 =	sor.u32 s9, s20;
	v1 =	vsel vm15, $0x0, v63;
	[tilespmem:s29+$0x0] =	vst v3  }
0xe4: {  	s31 =	sor.u32 s9, s21;
	v2 =	vsel vm15, $0x3E4CCCCD, v2;
	[tilespmem:s30+$0x0] =	vst v1  }
0xe5: {  	s3 =	sadd.s32 $0x20, s3;
	s7 =	sadd.s32 $0x1, s7;
	[tilespmem:s31+$0x0] =	vst v2  }
0xe6: {  	s3 =	sshll.u32 s1, $0xA  }
0xe7: {  	s5 =	simm.s32 $0x0;
	s6 =	simm.s32 $0x2400;
	s4 =	sadd.s32 s2, s3  }
0xe8: {  	[hbm4b:s4+s5] =	stream.linear.scatter [tilespmem:s6], [sflag:$0x1], $0x1000, $0x38;
	[tilespmem:$0x8880] =	vst v63  }
0xe9: {  	s7 =	simm.s32 $0x4400;
	s31 =	simm.s32 $0x6400;
	s30 =	sadd.s32 $0x4000, s4  }
0xea: {  	[hbm4b:s30+s5] =	stream.linear.scatter [tilespmem:s7], [sflag:$0x1], $0x1000, $0x38;
	[tilespmem:$0x8880] =	vst v63  }
0xeb: {  	s8 =	simm.s32 $0x8800;
	s4 =	sadd.s32 $0x8000, s4;
	s6 =	simm.s32 $0x8400  }
0xec: {  	[hbm4b:s4+s5] =	stream.linear.scatter [tilespmem:s31], [sflag:$0x1], $0x1000, $0x38;
	[tilespmem:$0x8880] =	vst v63  }
0xed: {  	s7 =	simm.s32 $0x8600;
	s4 =	simm.s32 $0x10;
	s5 =	simm.s32 $0x200  }
.LBB2_3:
0xee: {  	s11 =	sshll.u32 s4, $0x8  }
0xef: {  	s9 =	sshra.s32 s11, $0x2  }
0xf0: {  	s10 =	sand.u32 $0x60, s5;
	s9 =	sand.u32 $0xFFFFFF00, s9  }
0xf1: {  	s12 =	sor.u32 s10, s9  }
0xf2: {  	v1 =	vld [tilespmem:s12+$0x0];
	_ =	sdelay $0x1  }
0xf3: {  	v2 =	vld [tilespmem:s12+$0x80];
	_ =	sdelay $0x2  }
0xf4: {  	v3 =	vmul.f32 $2.000000000e+01, v1;
	_ =	sdelay $0x1  }
0xf5: {  	v4 =	vmul.f32 $2.000000000e+01, v2;
	v3 =	vtrunc.f32 v3  }
0xf6: {  	v3 =	vcvt.f32.s32 v3  }
0xf7: {  	v4 =	vtrunc.f32 v4  }
0xf8: {  	v4 =	vcvt.f32.s32 v4;
	v5 =	vshra.s32 v3, $0x2  }
0xf9: {  	v6 =	vmul.u32 $0x15, v3;
	v5 =	vmul.u32 $0x6, v5  }
0xfa: {  	v7 =	vshra.s32 v4, $0x2  }
0xfb: {  	v6 =	vadd.s32 v4, v6;
	v8 =	vadd.s32 v7, v5  }
0xfc: {  	v11 =	vadd.s32 $0x1E, v7;
	v9 =	vadd.s32 $0xFFFFFFFA, v8  }
0xfd: {  	v12 =	vadd.s32 $0x5, v5;
	v10 =	vadd.s32 $0x6, v8;
	vm0 =	vgt.s32 v9, v7  }
0xfe: {  	v32 =	vadd.s32 $0xFFFFFFFF, v8;
	vm1 =	vlt.s32 v10, v11;
	v7 =	vsel vm0, v9, v7  }
0xff: {  	v33 =	vadd.s32 $0x1, v8;
	vm6 =	vgt.s32 v32, v5;
	v31 =	vsel vm1, v10, v11  }
0x100: {  	vm7 =	vlt.s32 v33, v12;
	v5 =	vsel vm6, v32, v5;
	v13 =	vld.idx.msk [tilespmem:v6+s6+$0x0], $0xffff  }
0x101: {  	v34 =	vsel vm7, v33, v12;
	v6 =	vld.idx.msk [tilespmem:v6+s7+$0x0], $0xffff  }
0x102: {  	v8 =	vld.idx.msk [tilespmem:v8+s8+$0x0], $0xffff  }
0x103: {  	s22 =	sand.u32 $0x3FFFFC00, s11;
	v7 =	vld.idx.msk [tilespmem:v7+s8+$0x0], $0xffff  }
0x104: {  	s11 =	sadd.s32 $0x2400, s22;
	v9 =	vld.idx.msk [tilespmem:v31+s8+$0x0], $0xffff  }
0x105: {  	s23 =	sor.u32 s10, s11;
	v5 =	vld.idx.msk [tilespmem:v5+s8+$0x0], $0xffff  }
0x106: {  	v35 =	vsub.f32 $9.499999880e-01, v1;
	v10 =	vld.idx.msk [tilespmem:v34+s8+$0x0], $0xffff;
	[tilespmem:s23+$0x0] =	vst v1  }
0x107: {  	v36 =	vsub.f32 $9.499999880e-01, v2;
	[tilespmem:s23+$0x80] =	vst v2  }
0x108: {  	[tilespmem:s23+$0x100] =	vst v35  }
0x109: {  	[tilespmem:s23+$0x180] =	vst v36  }
0x10a: {  	[tilespmem:s23+$0x380] =	vst v1  }
0x10b: {  	[tilespmem:s23+$0x200] =	vst v13  }
0x10c: {  	s13 =	sadd.s32 $0x4400, s22;
	v37 =	vsub.f32 $1.000000000e+00, v1;
	[tilespmem:s23+$0x280] =	vst v6  }
0x10d: {  	s14 =	sor.u32 s10, s13;
	s12 =	sadd.s32 $0x4480, s22;
	[tilespmem:s23+$0x300] =	vst v8  }
0x10e: {  	s15 =	sor.u32 s10, s12;
	v38 =	vsub.f32 $1.000000000e+00, v2;
	v1 =	vand.u32 $0x3, v3;
	[tilespmem:s14+$0x0] =	vst v37;
	s14 =	sadd.s32 $0x4500, s22  }
0x10f: {  	v39 =	vand.u32 $0x3, v4;
	v1 =	vcvt.s32.f32 v1;
	[tilespmem:s15+$0x0] =	vst v2;
	s16 =	sor.u32 s10, s14;
	s15 =	sadd.s32 $0x4580, s22  }
0x110: {  	s24 =	sadd.s32 $0x4600, s22;
	v2 =	vcvt.s32.f32 v39;
	[tilespmem:s16+$0x0] =	vst v38;
	s17 =	sor.u32 s10, s15  }
0x111: {  	s25 =	sadd.s32 $0x4680, s22;
	s18 =	sor.u32 s10, s24;
	v40 =	vsub.f32 $4.000000000e+00, v1;
	[tilespmem:s17+$0x0] =	vst v7  }
0x112: {  	s26 =	sadd.s32 $0x4700, s22;
	s19 =	sor.u32 s10, s25;
	v1 =	vmul.f32 v1, v0;
	v41 =	vsub.f32 $4.000000000e+00, v2;
	[tilespmem:s18+$0x0] =	vst v9  }
0x113: {  	s28 =	sadd.s32 $0x4780, s22;
	s20 =	sor.u32 s10, s26;
	vm8 =	veq.s32 v3, $0x14;
	v3 =	vmul.f32 v40, v0;
	[tilespmem:s19+$0x0] =	vst v5  }
0x114: {  	s21 =	sor.u32 s10, s28;
	v1 =	vsel vm8, $0x3E4CCCCD, v1;
	v42 =	vmul.f32 v41, v0;
	[tilespmem:s20+$0x0] =	vst v10;
	s20 =	sadd.s32 $0x6400, s22  }
0x115: {  	vm9 =	veq.s32 v4, $0x14;
	v2 =	vmul.f32 v2, v0;
	v3 =	vsel vm8, $0x0, v3;
	[tilespmem:s21+$0x0] =	vst v1;
	s23 =	sor.u32 s10, s20;
	s21 =	sadd.s32 $0x6480, s22  }
0x116: {  	v1 =	vsel vm9, $0x0, v42;
	s22 =	sadd.s32 $0x6500, s22;
	[tilespmem:s23+$0x0] =	vst v3;
	s29 =	sor.u32 s10, s21  }
0x117: {  	v2 =	vsel vm9, $0x3E4CCCCD, v2;
	s30 =	sor.u32 s10, s22;
	s10 =	sor.u32 $0x10, s10;
	[tilespmem:s29+$0x0] =	vst v1  }
0x118: {  	s9 =	sor.u32 s10, s9;
	[tilespmem:s30+$0x0] =	vst v2  }
0x119: {  	v1 =	vld [tilespmem:s9+$0x0];
	_ =	sdelay $0x1  }
0x11a: {  	v2 =	vld [tilespmem:s9+$0x80];
	_ =	sdelay $0x2  }
0x11b: {  	v3 =	vmul.f32 $2.000000000e+01, v1;
	_ =	sdelay $0x1  }
0x11c: {  	v43 =	vmul.f32 $2.000000000e+01, v2;
	v3 =	vtrunc.f32 v3  }
0x11d: {  	v3 =	vcvt.f32.s32 v3  }
0x11e: {  	v4 =	vtrunc.f32 v43  }
0x11f: {  	v4 =	vcvt.f32.s32 v4;
	v44 =	vshra.s32 v3, $0x2  }
0x120: {  	v45 =	vmul.u32 $0x15, v3;
	v5 =	vmul.u32 $0x6, v44  }
0x121: {  	v46 =	vshra.s32 v4, $0x2  }
0x122: {  	v6 =	vadd.s32 v4, v45;
	v47 =	vadd.s32 v46, v5  }
0x123: {  	v50 =	vadd.s32 $0x1E, v46;
	v48 =	vadd.s32 $0xFFFFFFFA, v47  }
0x124: {  	v54 =	vadd.s32 $0x5, v5;
	v49 =	vadd.s32 $0x6, v47;
	vm10 =	vgt.s32 v48, v46  }
0x125: {  	v52 =	vadd.s32 $0xFFFFFFFF, v47;
	vm11 =	vlt.s32 v49, v50;
	v7 =	vsel vm10, v48, v46  }
0x126: {  	v53 =	vadd.s32 $0x1, v47;
	vm12 =	vgt.s32 v52, v5;
	v51 =	vsel vm11, v49, v50  }
0x127: {  	vm13 =	vlt.s32 v53, v54;
	v5 =	vsel vm12, v52, v5;
	v13 =	vld.idx.msk [tilespmem:v6+s6+$0x0], $0xffff  }
0x128: {  	v55 =	vsel vm13, v53, v54;
	v6 =	vld.idx.msk [tilespmem:v6+s7+$0x0], $0xffff  }
0x129: {  	v8 =	vld.idx.msk [tilespmem:v47+s8+$0x0], $0xffff  }
0x12a: {  	v7 =	vld.idx.msk [tilespmem:v7+s8+$0x0], $0xffff  }
0x12b: {  	v9 =	vld.idx.msk [tilespmem:v51+s8+$0x0], $0xffff  }
0x12c: {  	s31 =	sor.u32 s10, s11;
	v5 =	vld.idx.msk [tilespmem:v5+s8+$0x0], $0xffff  }
0x12d: {  	v56 =	vsub.f32 $9.499999880e-01, v1;
	v10 =	vld.idx.msk [tilespmem:v55+s8+$0x0], $0xffff;
	[tilespmem:s31+$0x0] =	vst v1  }
0x12e: {  	v57 =	vsub.f32 $9.499999880e-01, v2;
	[tilespmem:s31+$0x80] =	vst v2  }
0x12f: {  	[tilespmem:s31+$0x100] =	vst v56  }
0x130: {  	[tilespmem:s31+$0x180] =	vst v57  }
0x131: {  	[tilespmem:s31+$0x380] =	vst v1  }
0x132: {  	[tilespmem:s31+$0x200] =	vst v13  }
0x133: {  	v58 =	vsub.f32 $1.000000000e+00, v1;
	[tilespmem:s31+$0x280] =	vst v6  }
0x134: {  	s11 =	sor.u32 s10, s13;
	[tilespmem:s31+$0x300] =	vst v8  }
0x135: {  	s13 =	sor.u32 s10, s12;
	v59 =	vsub.f32 $1.000000000e+00, v2;
	v1 =	vand.u32 $0x3, v3;
	[tilespmem:s11+$0x0] =	vst v58  }
0x136: {  	s14 =	sor.u32 s10, s14;
	v60 =	vand.u32 $0x3, v4;
	v1 =	vcvt.s32.f32 v1;
	[tilespmem:s13+$0x0] =	vst v2  }
0x137: {  	s23 =	sor.u32 s10, s15;
	v2 =	vcvt.s32.f32 v60;
	[tilespmem:s14+$0x0] =	vst v59  }
0x138: {  	s24 =	sor.u32 s10, s24;
	v61 =	vsub.f32 $4.000000000e+00, v1;
	[tilespmem:s23+$0x0] =	vst v7  }
0x139: {  	s25 =	sor.u32 s10, s25;
	v1 =	vmul.f32 v1, v0;
	v62 =	vsub.f32 $4.000000000e+00, v2;
	[tilespmem:s24+$0x0] =	vst v9  }
0x13a: {  	p0 =	sne.s32 s4, $0x1F;
	s26 =	sor.u32 s10, s26;
	vm14 =	veq.s32 v3, $0x14;
	v3 =	vmul.f32 v61, v0;
	[tilespmem:s25+$0x0] =	vst v5  }
.Ltmp1:
0x13b: {  	s28 =	sor.u32 s10, s28;
	v1 =	vsel vm14, $0x3E4CCCCD, v1;
	v63 =	vmul.f32 v62, v0;
	[tilespmem:s26+$0x0] =	vst v10;
	(pc) =	sbr.rel @p0 .LBB2_3-.Ltmp1, $4  }
0x13c: {  	s29 =	sor.u32 s10, s20;
	vm15 =	veq.s32 v4, $0x14;
	v2 =	vmul.f32 v2, v0;
	v3 =	vsel vm14, $0x0, v3;
	[tilespmem:s28+$0x0] =	vst v1  }
0x13d: {  	s30 =	sor.u32 s10, s21;
	v1 =	vsel vm15, $0x0, v63;
	[tilespmem:s29+$0x0] =	vst v3  }
0x13e: {  	s31 =	sor.u32 s10, s22;
	v2 =	vsel vm15, $0x3E4CCCCD, v2;
	[tilespmem:s30+$0x0] =	vst v1  }
0x13f: {  	s5 =	sadd.s32 $0x20, s5;
	s4 =	sadd.s32 $0x1, s4;
	[tilespmem:s31+$0x0] =	vst v2  }
0x140: {  	s2 =	sadd.s32 s3, s2  }
0x141: {  	s4 =	simm.s32 $0x0;
	s5 =	simm.s32 $0x3400;
	s3 =	sadd.s32 $0x200, s2  }
0x142: {  	[hbm4b:s3+s4] =	stream.linear.scatter [tilespmem:s5], [sflag:$0x1], $0x1000, $0x38;
	[tilespmem:$0x8880] =	vst v63  }
0x143: {  	s29 =	simm.s32 $0x5400;
	s28 =	sadd.s32 $0x4200, s2  }
0x144: {  	[hbm4b:s28+s4] =	stream.linear.scatter [tilespmem:s29], [sflag:$0x1], $0x1000, $0x38;
	[tilespmem:$0x8880] =	vst v63  }
0x145: {  	s30 =	simm.s32 $0x7400;
	s31 =	simm.s32 $0x1;
	s2 =	sadd.s32 $0x8200, s2  }
0x146: {  	[hbm4b:s2+s4] =	stream.linear.scatter [tilespmem:s30], [sflag:$0x1], $0x1000, $0x38;
	[tilespmem:$0x8880] =	vst v63  }
0x147: {  	_ =	swait.ge [sflag:s31], $0x3000  }
0x148: {  	[sflag:s31] =	ssyncset.done $0x0  }
0x149: {  	[sflag:s31] =	ssyncadd.s32 $0xFFFFD000  }
0x14a: {  	_ =	swait.ge [sflag:s31], $0x3000  }
0x14b: {  	[sflag:s31] =	ssyncset.done $0x0  }
0x14c: {  	[sflag:s31] =	ssyncadd.s32 $0xFFFFD000  }
0x14d: {  	_ =	sfence.sel $0x180000  }
0x14e: {  	[bflag:$0x0] =	sbarrier.arrive $0xFFFF  }
0x14f: {  	p0 =	sne.s32 s1, $0x0;
	_ =	strace $0x90000047  }
0x150: {  	s0 =	sadd.s32 @!p0 $0x100000, s0;
	[bflag:$0x2] =	sbarrier.arrive $0xFFFF  }
0x151: {  	[sflag:s0] =	ssyncadd.tile.s32 @!p0 $0x1;
	_ =	shalt  }
.Lfunc_end2:
_tile_overlayer_lowered:
.L_overlay_start_2:
0x152: {  	(tag) =	ssettag $0x2  }
0x153: {  	s0 =	rddreg [dreg:$0x0];
	s2 =	stileid.u32  }
0x154: {  	s1 =	rddreg [dreg:$0x1];
	p0 =	sne.s32 s2, $0x0  }
0x155: {  	s3 =	rddreg [dreg:$0x2];
	[bflag:$0x3] =	sbarrier.arrive $0xFFFF;
	s2 =	simm.s32 @!p0 $0x1C02  }
0x156: {  	[timem:s3], [sflag:s2] =	dma.local @!p0 [hbm:s0], s1  }
0x157: {  	s0 =	simm.s32 @!p0 $0x2  }
0x158: {  	_ =	swait.ge @!p0 [sflag:s0], s1  }
0x159: {  	s1 =	ssub.s32 @!p0 $0x0, s1;
	[sflag:s0] =	ssyncset.done @!p0 $0x0  }
0x15a: {  	[sflag:s0] =	ssyncadd.s32 @!p0 s1  }
0x15b: {  	[bflag:$0x3] =	sbarrier.arrive $0xFFFF  }
0x15c: {  	_ =	shalt  }

</sc_bundles>
